<compile_context>
chip_gen: v7x
topology: tpu7x:2x2x1
jax: 0.10.2.dev20260603
libtpu: 0.0.44.dev20260713+nightly
codegen_flags: <defaults>
</compile_context>

<pallas_src>
import functools

import jax
import jax.numpy as jnp
from jax import lax
from jax.experimental import pallas as pl
from jax.experimental.pallas import tpu as pltpu
from jax.experimental.pallas import tpu_sc as plsc

B = 16384
H = 50
D = 32
NC = 2
NS = 16
NW = NC * NS
RB = B // NW
TPAD = RB + 8
UNROLL = 8


def _sc_gather(xT, data):
    mesh = plsc.VectorSubcoreMesh(core_axis_name="c", subcore_axis_name="s")

    @functools.partial(
        pl.kernel,
        out_type=jax.ShapeDtypeStruct((H, D, B), jnp.float32),
        mesh=mesh,
        scratch_types=[
            pltpu.VMEM((H, RB), jnp.int32),
            pltpu.VMEM((2, RB, D), jnp.float32),
            pltpu.VMEM((2, D, TPAD), jnp.float32),
            pltpu.SemaphoreType.DMA,
            pltpu.SemaphoreType.DMA,
            pltpu.SemaphoreType.DMA,
            pltpu.SemaphoreType.DMA,
        ],
        compiler_params=pltpu.CompilerParams(
            use_tc_tiling_on_sc=False, needs_layout_passes=False
        ),
    )
    def k(xT_hbm, data_hbm, outT_hbm, idxT_v, rows_v, trans_v,
          gsem0, gsem1, ssem0, ssem1):
        wid = lax.axis_index("s") * NC + lax.axis_index("c")
        b0 = wid * RB
        pltpu.sync_copy(xT_hbm.at[:, pl.ds(b0, RB)], idxT_v)
        lanes = lax.iota(jnp.int32, 16)

        def fire(h, buf, sem):
            pltpu.async_copy(data_hbm.at[idxT_v.at[h]], rows_v.at[buf], sem)

        def drain(buf, sem):
            pltpu.make_async_copy(
                outT_hbm.at[0, :, pl.ds(b0, RB)], rows_v.at[buf], sem
            ).wait()

        def drain_store(tb, sem):
            pltpu.make_async_copy(
                outT_hbm.at[0, :, pl.ds(b0, RB)], rows_v.at[tb], sem
            ).wait()

        def process(h, buf, tb, sem):
            def b_body(bb, c2):
                b = bb * UNROLL
                for u in range(UNROLL):
                    v0 = rows_v[buf, b + u, pl.ds(0, 16)]
                    v1 = rows_v[buf, b + u, pl.ds(16, 16)]
                    col = jnp.full((16,), 0, jnp.int32) + (b + u)
                    plsc.store_scatter(trans_v.at[tb], [lanes, col], v0)
                    plsc.store_scatter(trans_v.at[tb], [lanes + 16, col], v1)
                return c2

            lax.fori_loop(0, RB // UNROLL, b_body, 0)
            pltpu.async_copy(
                trans_v.at[tb, :, pl.ds(0, RB)],
                outT_hbm.at[h, :, pl.ds(b0, RB)], sem,
            )

        fire(0, 0, gsem0)

        def pair_body(p, carry):
            h0 = 2 * p
            drain(0, gsem0)
            fire(h0 + 1, 1, gsem1)

            @pl.when(p > 0)
            def _():
                drain_store(0, ssem0)

            process(h0, 0, 0, ssem0)
            drain(1, gsem1)

            @pl.when(p < H // 2 - 1)
            def _():
                fire(h0 + 2, 0, gsem0)

            @pl.when(p > 0)
            def _():
                drain_store(1, ssem1)

            process(h0 + 1, 1, 1, ssem1)
            return carry

        lax.fori_loop(0, H // 2, pair_body, 0)
        drain_store(0, ssem0)
        drain_store(1, ssem1)

    return k(xT, data)


def kernel(x, data):
    outT = _sc_gather(x.T, data)
    return jnp.transpose(outT, (2, 0, 1))

# --- scband reference (transcript-rebuilt; emitter-appended) ---
"""Pipeline reference for scband-gather-data-26654567039052 (READ-ONLY COPY).

The authoritative reference and input builder live on the scoring server;
editing this copy changes nothing except your own understanding.
"""

import jax, jax.numpy as jnp
import numpy as np

VOCAB = 1000000
EMBED_DIM = 32
BATCH = 16384
HIST_LEN = 50


def setup_inputs(seed: int = 0) -> dict:
    key = jax.random.key(seed)
    k1, k2 = jax.random.split(key)
    data = jax.random.normal(k1, (VOCAB, EMBED_DIM), dtype=jnp.float32)
    x = jax.random.randint(k2, (BATCH, HIST_LEN), 0, VOCAB, dtype=jnp.int32)
    return {"x": x, "data": data}


def reference(x, data):
    # GatherData.call: K.gather(self.data, x) -> rows of `data` indexed by x
    return jnp.take(data, x, axis=0)

if __name__ == "__main__":
    import jax
    _d = setup_inputs()
    print(jax.jit(kernel)(*tuple(_d.values())))

</pallas_src>

<mosaic_0001>
#map = affine_map<(d0, d1) -> (0, 0)>
#map1 = affine_map<(d0, d1) -> (0, 0, 0)>
module attributes {stable_mosaic.version = 14 : i64} {
  func.func @k(%arg0: i32, %arg1: i32, %arg2: memref<50x16384xi32, #tpu.memory_space<hbm>>, %arg3: memref<1000000x32xf32, #tpu.memory_space<hbm>>, %arg4: memref<50x32x16384xf32, #tpu.memory_space<hbm>>, %arg5: memref<50x512xi32, #tpu.memory_space<vmem>>, %arg6: memref<2x512x32xf32, #tpu.memory_space<vmem>>, %arg7: memref<2x32x520xf32, #tpu.memory_space<vmem>>, %arg8: memref<!tpu.dma_semaphore, #tpu.memory_space<semaphore_mem>>, %arg9: memref<!tpu.dma_semaphore, #tpu.memory_space<semaphore_mem>>, %arg10: memref<!tpu.dma_semaphore, #tpu.memory_space<semaphore_mem>>, %arg11: memref<!tpu.dma_semaphore, #tpu.memory_space<semaphore_mem>>) attributes {dimension_semantics = [#tpu.dimension_semantics<core_parallel>, #tpu.dimension_semantics<subcore_parallel>], iteration_bounds = array<i64: 2, 16>, scalar_prefetch = 0 : i64, scratch_operands = 7 : i64, tpu.core_type = #tpu.core_type<sc_vector_subcore>, window_params = [{transform_indices = #map}, {transform_indices = #map}, {transform_indices = #map1}]} {
    %mul3A = arith.constant 2 : i32
    %mul3A_0 = arith.muli %arg1, %mul3A : i32
    %add3A = arith.addi %mul3A_0, %arg0 : i32
    %mul3A_1 = arith.constant 512 : i32
    %mul3A_2 = arith.muli %add3A, %mul3A_1 : i32
    "tpu.region"() ({
      %run_scoped3A = tpu.sem_alloc : memref<!tpu.dma_semaphore, #tpu.memory_space<semaphore_mem>>
      %dma_start3A_50 = arith.constant 0 : i32
      %dma_start3A_51 = tpu.memref_slice %arg2[%dma_start3A_50, %mul3A_2] : memref<50x16384xi32, #tpu.memory_space<hbm>> -> memref<50x512xi32, #tpu.memory_space<hbm>>
      %dma_start3A_52 = arith.constant 0 : i32
      %dma_start3A_53 = tpu.memref_slice %arg2[%dma_start3A_52, %mul3A_2] : memref<50x16384xi32, #tpu.memory_space<hbm>> -> memref<50x512xi32, #tpu.memory_space<hbm>>
      tpu.enqueue_dma source(%dma_start3A_53 : memref<50x512xi32, #tpu.memory_space<hbm>>) target(%arg5 : memref<50x512xi32, #tpu.memory_space<vmem>>) target_semaphore(%run_scoped3A : memref<!tpu.dma_semaphore, #tpu.memory_space<semaphore_mem>>)
      %dma_wait3A_54 = arith.constant 0 : i32
      %dma_wait3A_55 = tpu.memref_slice %arg2[%dma_wait3A_54, %mul3A_2] : memref<50x16384xi32, #tpu.memory_space<hbm>> -> memref<50x512xi32, #tpu.memory_space<hbm>>
      %dma_wait3A_56 = arith.constant 0 : i32
      %dma_wait3A_57 = tpu.memref_slice %arg2[%dma_wait3A_56, %mul3A_2] : memref<50x16384xi32, #tpu.memory_space<hbm>> -> memref<50x512xi32, #tpu.memory_space<hbm>>
      tpu.wait_dma2 semaphore(%run_scoped3A : memref<!tpu.dma_semaphore, #tpu.memory_space<semaphore_mem>>) src(%dma_wait3A_57 : memref<50x512xi32, #tpu.memory_space<hbm>>) dst(%arg5 : memref<50x512xi32, #tpu.memory_space<vmem>>)
      tpu.yield
    }) : () -> ()
    %iota3A = tpu.iota {dimensions = array<i32: 0>} : vector<16xi32>
    %dma_start3A = arith.constant 0 : i32
    %dma_start3A_3 = arith.constant 0 : i32
    %dma_start3A_4 = arith.constant 0 : i32
    %dma_start3A_5 = arith.constant 0 : i32
    %dma_start3A_6 = tpu.memref_slice %arg6[%dma_start3A_3, %dma_start3A_4, %dma_start3A_5] : memref<2x512x32xf32, #tpu.memory_space<vmem>> -> memref<1x512x32xf32, #tpu.memory_space<vmem>>
    %dma_start3A_7 = tpu.memref_squeeze %dma_start3A_6 : memref<1x512x32xf32, #tpu.memory_space<vmem>> -> memref<512x32xf32, #tpu.memory_space<vmem>>
    %dma_start3A_8 = arith.constant 0 : i32
    %dma_start3A_9 = tpu.memref_slice %arg5[%dma_start3A, %dma_start3A_8] : memref<50x512xi32, #tpu.memory_space<vmem>> -> memref<1x512xi32, #tpu.memory_space<vmem>>
    %dma_start3A_10 = tpu.memref_squeeze %dma_start3A_9 : memref<1x512xi32, #tpu.memory_space<vmem>> -> memref<512xi32, #tpu.memory_space<vmem>>
    %dma_start3A_11 = arith.constant 0 : i32
    %dma_start3A_12 = arith.constant 0 : i32
    %dma_start3A_13 = tpu.memref_slice %arg3[%dma_start3A_11, %dma_start3A_12] : memref<1000000x32xf32, #tpu.memory_space<hbm>> -> memref<1000000x32xf32, #tpu.memory_space<hbm>>
    tpu.enqueue_indirect_dma source(%dma_start3A_13 : memref<1000000x32xf32, #tpu.memory_space<hbm>>) target(%dma_start3A_7 : memref<512x32xf32, #tpu.memory_space<vmem>>) offsets(%dma_start3A_10 : memref<512xi32, #tpu.memory_space<vmem>>) semaphore(%arg8 : memref<!tpu.dma_semaphore, #tpu.memory_space<semaphore_mem>>)
    %scan3A = arith.constant 0 : i32
    %scan3A_14 = arith.constant 0 : i32
    %scan3A_15 = arith.constant 25 : i32
    %scan3A_16 = arith.addi %scan3A_14, %scan3A_15 : i32
    %scan3A_17 = arith.constant 1 : i32
    scf.for %scan3A_50 = %scan3A_14 to %scan3A_16 step %scan3A_17  : i32 {
      %mul3A_51 = arith.constant 2 : i32
      %mul3A_52 = arith.muli %mul3A_51, %scan3A_50 : i32
      %dma_wait3A_53 = arith.constant 0 : i32
      %dma_wait3A_54 = arith.constant 0 : i32
      %dma_wait3A_55 = arith.constant 0 : i32
      %dma_wait3A_56 = arith.constant 0 : i32
      %dma_wait3A_57 = tpu.memref_slice %arg6[%dma_wait3A_54, %dma_wait3A_55, %dma_wait3A_56] : memref<2x512x32xf32, #tpu.memory_space<vmem>> -> memref<1x512x32xf32, #tpu.memory_space<vmem>>
      %dma_wait3A_58 = tpu.memref_squeeze %dma_wait3A_57 : memref<1x512x32xf32, #tpu.memory_space<vmem>> -> memref<512x32xf32, #tpu.memory_space<vmem>>
      %dma_wait3A_59 = arith.constant 0 : i32
      %dma_wait3A_60 = tpu.memref_slice %arg4[%dma_wait3A_53, %dma_wait3A_59, %mul3A_2] : memref<50x32x16384xf32, #tpu.memory_space<hbm>> -> memref<1x32x512xf32, #tpu.memory_space<hbm>>
      %dma_wait3A_61 = tpu.memref_squeeze %dma_wait3A_60 : memref<1x32x512xf32, #tpu.memory_space<hbm>> -> memref<32x512xf32, #tpu.memory_space<hbm>>
      %dma_wait3A_62 = arith.constant 0 : i32
      %dma_wait3A_63 = arith.constant 0 : i32
      %dma_wait3A_64 = tpu.memref_slice %arg6[%dma_wait3A_54, %dma_wait3A_62, %dma_wait3A_63] : memref<2x512x32xf32, #tpu.memory_space<vmem>> -> memref<1x512x32xf32, #tpu.memory_space<vmem>>
      %dma_wait3A_65 = tpu.memref_squeeze %dma_wait3A_64 : memref<1x512x32xf32, #tpu.memory_space<vmem>> -> memref<512x32xf32, #tpu.memory_space<vmem>>
      %dma_wait3A_66 = arith.constant 0 : i32
      %dma_wait3A_67 = tpu.memref_slice %arg4[%dma_wait3A_53, %dma_wait3A_66, %mul3A_2] : memref<50x32x16384xf32, #tpu.memory_space<hbm>> -> memref<1x32x512xf32, #tpu.memory_space<hbm>>
      %dma_wait3A_68 = tpu.memref_squeeze %dma_wait3A_67 : memref<1x32x512xf32, #tpu.memory_space<hbm>> -> memref<32x512xf32, #tpu.memory_space<hbm>>
      tpu.wait_dma2 semaphore(%arg8 : memref<!tpu.dma_semaphore, #tpu.memory_space<semaphore_mem>>) src(%dma_wait3A_68 : memref<32x512xf32, #tpu.memory_space<hbm>>) dst(%dma_wait3A_65 : memref<512x32xf32, #tpu.memory_space<vmem>>)
      %add3A_69 = arith.constant 1 : i32
      %add3A_70 = arith.addi %mul3A_52, %add3A_69 : i32
      %dma_start3A_71 = arith.constant 1 : i32
      %dma_start3A_72 = arith.constant 0 : i32
      %dma_start3A_73 = arith.constant 0 : i32
      %dma_start3A_74 = tpu.memref_slice %arg6[%dma_start3A_71, %dma_start3A_72, %dma_start3A_73] : memref<2x512x32xf32, #tpu.memory_space<vmem>> -> memref<1x512x32xf32, #tpu.memory_space<vmem>>
      %dma_start3A_75 = tpu.memref_squeeze %dma_start3A_74 : memref<1x512x32xf32, #tpu.memory_space<vmem>> -> memref<512x32xf32, #tpu.memory_space<vmem>>
      %dma_start3A_76 = arith.constant 0 : i32
      %dma_start3A_77 = tpu.memref_slice %arg5[%add3A_70, %dma_start3A_76] : memref<50x512xi32, #tpu.memory_space<vmem>> -> memref<1x512xi32, #tpu.memory_space<vmem>>
      %dma_start3A_78 = tpu.memref_squeeze %dma_start3A_77 : memref<1x512xi32, #tpu.memory_space<vmem>> -> memref<512xi32, #tpu.memory_space<vmem>>
      %dma_start3A_79 = arith.constant 0 : i32
      %dma_start3A_80 = arith.constant 0 : i32
      %dma_start3A_81 = tpu.memref_slice %arg3[%dma_start3A_79, %dma_start3A_80] : memref<1000000x32xf32, #tpu.memory_space<hbm>> -> memref<1000000x32xf32, #tpu.memory_space<hbm>>
      tpu.enqueue_indirect_dma source(%dma_start3A_81 : memref<1000000x32xf32, #tpu.memory_space<hbm>>) target(%dma_start3A_75 : memref<512x32xf32, #tpu.memory_space<vmem>>) offsets(%dma_start3A_78 : memref<512xi32, #tpu.memory_space<vmem>>) semaphore(%arg9 : memref<!tpu.dma_semaphore, #tpu.memory_space<semaphore_mem>>)
      %gt3A = arith.constant 0 : i32
      %gt3A_82 = arith.cmpi sgt, %scan3A_50, %gt3A : i32
      %convert_element_type3A = arith.extui %gt3A_82 : i1 to i32
      %cond3A = arith.constant 0 : i32
      %cond3A_83 = arith.cmpi ne, %convert_element_type3A, %cond3A : i32
      scf.if %cond3A_83 {
        %dma_wait3A_153 = arith.constant 0 : i32
        %dma_wait3A_154 = arith.constant 0 : i32
        %dma_wait3A_155 = arith.constant 0 : i32
        %dma_wait3A_156 = arith.constant 0 : i32
        %dma_wait3A_157 = tpu.memref_slice %arg6[%dma_wait3A_154, %dma_wait3A_155, %dma_wait3A_156] : memref<2x512x32xf32, #tpu.memory_space<vmem>> -> memref<1x512x32xf32, #tpu.memory_space<vmem>>
        %dma_wait3A_158 = tpu.memref_squeeze %dma_wait3A_157 : memref<1x512x32xf32, #tpu.memory_space<vmem>> -> memref<512x32xf32, #tpu.memory_space<vmem>>
        %dma_wait3A_159 = arith.constant 0 : i32
        %dma_wait3A_160 = tpu.memref_slice %arg4[%dma_wait3A_153, %dma_wait3A_159, %mul3A_2] : memref<50x32x16384xf32, #tpu.memory_space<hbm>> -> memref<1x32x512xf32, #tpu.memory_space<hbm>>
        %dma_wait3A_161 = tpu.memref_squeeze %dma_wait3A_160 : memref<1x32x512xf32, #tpu.memory_space<hbm>> -> memref<32x512xf32, #tpu.memory_space<hbm>>
        %dma_wait3A_162 = arith.constant 0 : i32
        %dma_wait3A_163 = arith.constant 0 : i32
        %dma_wait3A_164 = tpu.memref_slice %arg6[%dma_wait3A_154, %dma_wait3A_162, %dma_wait3A_163] : memref<2x512x32xf32, #tpu.memory_space<vmem>> -> memref<1x512x32xf32, #tpu.memory_space<vmem>>
        %dma_wait3A_165 = tpu.memref_squeeze %dma_wait3A_164 : memref<1x512x32xf32, #tpu.memory_space<vmem>> -> memref<512x32xf32, #tpu.memory_space<vmem>>
        %dma_wait3A_166 = arith.constant 0 : i32
        %dma_wait3A_167 = tpu.memref_slice %arg4[%dma_wait3A_153, %dma_wait3A_166, %mul3A_2] : memref<50x32x16384xf32, #tpu.memory_space<hbm>> -> memref<1x32x512xf32, #tpu.memory_space<hbm>>
        %dma_wait3A_168 = tpu.memref_squeeze %dma_wait3A_167 : memref<1x32x512xf32, #tpu.memory_space<hbm>> -> memref<32x512xf32, #tpu.memory_space<hbm>>
        tpu.wait_dma2 semaphore(%arg10 : memref<!tpu.dma_semaphore, #tpu.memory_space<semaphore_mem>>) src(%dma_wait3A_168 : memref<32x512xf32, #tpu.memory_space<hbm>>) dst(%dma_wait3A_165 : memref<512x32xf32, #tpu.memory_space<vmem>>)
      } else {
      }
      %scan3A_84 = arith.constant 0 : i32
      %scan3A_85 = arith.constant 0 : i32
      %scan3A_86 = arith.constant 64 : i32
      %scan3A_87 = arith.addi %scan3A_85, %scan3A_86 : i32
      %scan3A_88 = arith.constant 1 : i32
      scf.for %scan3A_153 = %scan3A_85 to %scan3A_87 step %scan3A_88  : i32 {
        %mul3A_154 = arith.constant 8 : i32
        %mul3A_155 = arith.muli %scan3A_153, %mul3A_154 : i32
        %add3A_156 = arith.constant 0 : i32
        %add3A_157 = arith.addi %mul3A_155, %add3A_156 : i32
        %get3A = arith.constant 0 : i32
        %get3A_158 = arith.index_cast %get3A : i32 to index
        %get3A_159 = arith.index_cast %add3A_157 : i32 to index
        %get3A_160 = arith.constant 0 : index
        %get3A_161 = tpu.vector_load %arg6[%get3A_158, %get3A_159, %get3A_160] {strides = array<i32>} : memref<2x512x32xf32, #tpu.memory_space<vmem>>, vector<16xf32>,
        %add3A_162 = arith.constant 0 : i32
        %add3A_163 = arith.addi %mul3A_155, %add3A_162 : i32
        %get3A_164 = arith.constant 0 : i32
        %get3A_165 = arith.index_cast %get3A_164 : i32 to index
        %get3A_166 = arith.index_cast %add3A_163 : i32 to index
        %get3A_167 = arith.constant 16 : index
        %get3A_168 = tpu.vector_load %arg6[%get3A_165, %get3A_166, %get3A_167] {strides = array<i32>} : memref<2x512x32xf32, #tpu.memory_space<vmem>>, vector<16xf32>,
        %broadcast_in_dim3A = arith.constant 0 : i32
        %broadcast_in_dim3A_169 = vector.broadcast %broadcast_in_dim3A : i32 to vector<16xi32>
        %add3A_170 = arith.constant 0 : i32
        %add3A_171 = arith.addi %mul3A_155, %add3A_170 : i32
        %add3A_172 = vector.broadcast %add3A_171 : i32 to vector<16xi32>
        %add3A_173 = arith.addi %broadcast_in_dim3A_169, %add3A_172 : vector<16xi32>
        %scatter3A = arith.constant 0 : i32
        %scatter3A_174 = arith.constant 0 : i32
        %scatter3A_175 = arith.constant 0 : i32
        %scatter3A_176 = tpu.memref_slice %arg7[%scatter3A, %scatter3A_174, %scatter3A_175] : memref<2x32x520xf32, #tpu.memory_space<vmem>> -> memref<1x32x520xf32, #tpu.memory_space<vmem>>
        %scatter3A_177 = tpu.memref_squeeze %scatter3A_176 : memref<1x32x520xf32, #tpu.memory_space<vmem>> -> memref<32x520xf32, #tpu.memory_space<vmem>>
        tpu.vector_store_idx %scatter3A_177[%iota3A, %add3A_173], %get3A_161 : memref<32x520xf32, #tpu.memory_space<vmem>>[vector<16xi32>, vector<16xi32>], vector<16xf32>,
        %add3A_178 = arith.constant 16 : i32
        %add3A_179 = vector.broadcast %add3A_178 : i32 to vector<16xi32>
        %add3A_180 = arith.addi %iota3A, %add3A_179 : vector<16xi32>
        %scatter3A_181 = arith.constant 0 : i32
        %scatter3A_182 = arith.constant 0 : i32
        %scatter3A_183 = arith.constant 0 : i32
        %scatter3A_184 = tpu.memref_slice %arg7[%scatter3A_181, %scatter3A_182, %scatter3A_183] : memref<2x32x520xf32, #tpu.memory_space<vmem>> -> memref<1x32x520xf32, #tpu.memory_space<vmem>>
        %scatter3A_185 = tpu.memref_squeeze %scatter3A_184 : memref<1x32x520xf32, #tpu.memory_space<vmem>> -> memref<32x520xf32, #tpu.memory_space<vmem>>
        tpu.vector_store_idx %scatter3A_185[%add3A_180, %add3A_173], %get3A_168 : memref<32x520xf32, #tpu.memory_space<vmem>>[vector<16xi32>, vector<16xi32>], vector<16xf32>,
        %add3A_186 = arith.constant 1 : i32
        %add3A_187 = arith.addi %mul3A_155, %add3A_186 : i32
        %get3A_188 = arith.constant 0 : i32
        %get3A_189 = arith.index_cast %get3A_188 : i32 to index
        %get3A_190 = arith.index_cast %add3A_187 : i32 to index
        %get3A_191 = arith.constant 0 : index
        %get3A_192 = tpu.vector_load %arg6[%get3A_189, %get3A_190, %get3A_191] {strides = array<i32>} : memref<2x512x32xf32, #tpu.memory_space<vmem>>, vector<16xf32>,
        %add3A_193 = arith.constant 1 : i32
        %add3A_194 = arith.addi %mul3A_155, %add3A_193 : i32
        %get3A_195 = arith.constant 0 : i32
        %get3A_196 = arith.index_cast %get3A_195 : i32 to index
        %get3A_197 = arith.index_cast %add3A_194 : i32 to index
        %get3A_198 = arith.constant 16 : index
        %get3A_199 = tpu.vector_load %arg6[%get3A_196, %get3A_197, %get3A_198] {strides = array<i32>} : memref<2x512x32xf32, #tpu.memory_space<vmem>>, vector<16xf32>,
        %broadcast_in_dim3A_200 = arith.constant 0 : i32
        %broadcast_in_dim3A_201 = vector.broadcast %broadcast_in_dim3A_200 : i32 to vector<16xi32>
        %add3A_202 = arith.constant 1 : i32
        %add3A_203 = arith.addi %mul3A_155, %add3A_202 : i32
        %add3A_204 = vector.broadcast %add3A_203 : i32 to vector<16xi32>
        %add3A_205 = arith.addi %broadcast_in_dim3A_201, %add3A_204 : vector<16xi32>
        %scatter3A_206 = arith.constant 0 : i32
        %scatter3A_207 = arith.constant 0 : i32
        %scatter3A_208 = arith.constant 0 : i32
        %scatter3A_209 = tpu.memref_slice %arg7[%scatter3A_206, %scatter3A_207, %scatter3A_208] : memref<2x32x520xf32, #tpu.memory_space<vmem>> -> memref<1x32x520xf32, #tpu.memory_space<vmem>>
        %scatter3A_210 = tpu.memref_squeeze %scatter3A_209 : memref<1x32x520xf32, #tpu.memory_space<vmem>> -> memref<32x520xf32, #tpu.memory_space<vmem>>
        tpu.vector_store_idx %scatter3A_210[%iota3A, %add3A_205], %get3A_192 : memref<32x520xf32, #tpu.memory_space<vmem>>[vector<16xi32>, vector<16xi32>], vector<16xf32>,
        %add3A_211 = arith.constant 16 : i32
        %add3A_212 = vector.broadcast %add3A_211 : i32 to vector<16xi32>
        %add3A_213 = arith.addi %iota3A, %add3A_212 : vector<16xi32>
        %scatter3A_214 = arith.constant 0 : i32
        %scatter3A_215 = arith.constant 0 : i32
        %scatter3A_216 = arith.constant 0 : i32
        %scatter3A_217 = tpu.memref_slice %arg7[%scatter3A_214, %scatter3A_215, %scatter3A_216] : memref<2x32x520xf32, #tpu.memory_space<vmem>> -> memref<1x32x520xf32, #tpu.memory_space<vmem>>
        %scatter3A_218 = tpu.memref_squeeze %scatter3A_217 : memref<1x32x520xf32, #tpu.memory_space<vmem>> -> memref<32x520xf32, #tpu.memory_space<vmem>>
        tpu.vector_store_idx %scatter3A_218[%add3A_213, %add3A_205], %get3A_199 : memref<32x520xf32, #tpu.memory_space<vmem>>[vector<16xi32>, vector<16xi32>], vector<16xf32>,
        %add3A_219 = arith.constant 2 : i32
        %add3A_220 = arith.addi %mul3A_155, %add3A_219 : i32
        %get3A_221 = arith.constant 0 : i32
        %get3A_222 = arith.index_cast %get3A_221 : i32 to index
        %get3A_223 = arith.index_cast %add3A_220 : i32 to index
        %get3A_224 = arith.constant 0 : index
        %get3A_225 = tpu.vector_load %arg6[%get3A_222, %get3A_223, %get3A_224] {strides = array<i32>} : memref<2x512x32xf32, #tpu.memory_space<vmem>>, vector<16xf32>,
        %add3A_226 = arith.constant 2 : i32
        %add3A_227 = arith.addi %mul3A_155, %add3A_226 : i32
        %get3A_228 = arith.constant 0 : i32
        %get3A_229 = arith.index_cast %get3A_228 : i32 to index
        %get3A_230 = arith.index_cast %add3A_227 : i32 to index
        %get3A_231 = arith.constant 16 : index
        %get3A_232 = tpu.vector_load %arg6[%get3A_229, %get3A_230, %get3A_231] {strides = array<i32>} : memref<2x512x32xf32, #tpu.memory_space<vmem>>, vector<16xf32>,
        %broadcast_in_dim3A_233 = arith.constant 0 : i32
        %broadcast_in_dim3A_234 = vector.broadcast %broadcast_in_dim3A_233 : i32 to vector<16xi32>
        %add3A_235 = arith.constant 2 : i32
        %add3A_236 = arith.addi %mul3A_155, %add3A_235 : i32
        %add3A_237 = vector.broadcast %add3A_236 : i32 to vector<16xi32>
        %add3A_238 = arith.addi %broadcast_in_dim3A_234, %add3A_237 : vector<16xi32>
        %scatter3A_239 = arith.constant 0 : i32
        %scatter3A_240 = arith.constant 0 : i32
        %scatter3A_241 = arith.constant 0 : i32
        %scatter3A_242 = tpu.memref_slice %arg7[%scatter3A_239, %scatter3A_240, %scatter3A_241] : memref<2x32x520xf32, #tpu.memory_space<vmem>> -> memref<1x32x520xf32, #tpu.memory_space<vmem>>
        %scatter3A_243 = tpu.memref_squeeze %scatter3A_242 : memref<1x32x520xf32, #tpu.memory_space<vmem>> -> memref<32x520xf32, #tpu.memory_space<vmem>>
        tpu.vector_store_idx %scatter3A_243[%iota3A, %add3A_238], %get3A_225 : memref<32x520xf32, #tpu.memory_space<vmem>>[vector<16xi32>, vector<16xi32>], vector<16xf32>,
        %add3A_244 = arith.constant 16 : i32
        %add3A_245 = vector.broadcast %add3A_244 : i32 to vector<16xi32>
        %add3A_246 = arith.addi %iota3A, %add3A_245 : vector<16xi32>
        %scatter3A_247 = arith.constant 0 : i32
        %scatter3A_248 = arith.constant 0 : i32
        %scatter3A_249 = arith.constant 0 : i32
        %scatter3A_250 = tpu.memref_slice %arg7[%scatter3A_247, %scatter3A_248, %scatter3A_249] : memref<2x32x520xf32, #tpu.memory_space<vmem>> -> memref<1x32x520xf32, #tpu.memory_space<vmem>>
        %scatter3A_251 = tpu.memref_squeeze %scatter3A_250 : memref<1x32x520xf32, #tpu.memory_space<vmem>> -> memref<32x520xf32, #tpu.memory_space<vmem>>
        tpu.vector_store_idx %scatter3A_251[%add3A_246, %add3A_238], %get3A_232 : memref<32x520xf32, #tpu.memory_space<vmem>>[vector<16xi32>, vector<16xi32>], vector<16xf32>,
        %add3A_252 = arith.constant 3 : i32
        %add3A_253 = arith.addi %mul3A_155, %add3A_252 : i32
        %get3A_254 = arith.constant 0 : i32
        %get3A_255 = arith.index_cast %get3A_254 : i32 to index
        %get3A_256 = arith.index_cast %add3A_253 : i32 to index
        %get3A_257 = arith.constant 0 : index
        %get3A_258 = tpu.vector_load %arg6[%get3A_255, %get3A_256, %get3A_257] {strides = array<i32>} : memref<2x512x32xf32, #tpu.memory_space<vmem>>, vector<16xf32>,
        %add3A_259 = arith.constant 3 : i32
        %add3A_260 = arith.addi %mul3A_155, %add3A_259 : i32
        %get3A_261 = arith.constant 0 : i32
        %get3A_262 = arith.index_cast %get3A_261 : i32 to index
        %get3A_263 = arith.index_cast %add3A_260 : i32 to index
        %get3A_264 = arith.constant 16 : index
        %get3A_265 = tpu.vector_load %arg6[%get3A_262, %get3A_263, %get3A_264] {strides = array<i32>} : memref<2x512x32xf32, #tpu.memory_space<vmem>>, vector<16xf32>,
        %broadcast_in_dim3A_266 = arith.constant 0 : i32
        %broadcast_in_dim3A_267 = vector.broadcast %broadcast_in_dim3A_266 : i32 to vector<16xi32>
        %add3A_268 = arith.constant 3 : i32
        %add3A_269 = arith.addi %mul3A_155, %add3A_268 : i32
        %add3A_270 = vector.broadcast %add3A_269 : i32 to vector<16xi32>
        %add3A_271 = arith.addi %broadcast_in_dim3A_267, %add3A_270 : vector<16xi32>
        %scatter3A_272 = arith.constant 0 : i32
        %scatter3A_273 = arith.constant 0 : i32
        %scatter3A_274 = arith.constant 0 : i32
        %scatter3A_275 = tpu.memref_slice %arg7[%scatter3A_272, %scatter3A_273, %scatter3A_274] : memref<2x32x520xf32, #tpu.memory_space<vmem>> -> memref<1x32x520xf32, #tpu.memory_space<vmem>>
        %scatter3A_276 = tpu.memref_squeeze %scatter3A_275 : memref<1x32x520xf32, #tpu.memory_space<vmem>> -> memref<32x520xf32, #tpu.memory_space<vmem>>
        tpu.vector_store_idx %scatter3A_276[%iota3A, %add3A_271], %get3A_258 : memref<32x520xf32, #tpu.memory_space<vmem>>[vector<16xi32>, vector<16xi32>], vector<16xf32>,
        %add3A_277 = arith.constant 16 : i32
        %add3A_278 = vector.broadcast %add3A_277 : i32 to vector<16xi32>
        %add3A_279 = arith.addi %iota3A, %add3A_278 : vector<16xi32>
        %scatter3A_280 = arith.constant 0 : i32
        %scatter3A_281 = arith.constant 0 : i32
        %scatter3A_282 = arith.constant 0 : i32
        %scatter3A_283 = tpu.memref_slice %arg7[%scatter3A_280, %scatter3A_281, %scatter3A_282] : memref<2x32x520xf32, #tpu.memory_space<vmem>> -> memref<1x32x520xf32, #tpu.memory_space<vmem>>
        %scatter3A_284 = tpu.memref_squeeze %scatter3A_283 : memref<1x32x520xf32, #tpu.memory_space<vmem>> -> memref<32x520xf32, #tpu.memory_space<vmem>>
        tpu.vector_store_idx %scatter3A_284[%add3A_279, %add3A_271], %get3A_265 : memref<32x520xf32, #tpu.memory_space<vmem>>[vector<16xi32>, vector<16xi32>], vector<16xf32>,
        %add3A_285 = arith.constant 4 : i32
        %add3A_286 = arith.addi %mul3A_155, %add3A_285 : i32
        %get3A_287 = arith.constant 0 : i32
        %get3A_288 = arith.index_cast %get3A_287 : i32 to index
        %get3A_289 = arith.index_cast %add3A_286 : i32 to index
        %get3A_290 = arith.constant 0 : index
        %get3A_291 = tpu.vector_load %arg6[%get3A_288, %get3A_289, %get3A_290] {strides = array<i32>} : memref<2x512x32xf32, #tpu.memory_space<vmem>>, vector<16xf32>,
        %add3A_292 = arith.constant 4 : i32
        %add3A_293 = arith.addi %mul3A_155, %add3A_292 : i32
        %get3A_294 = arith.constant 0 : i32
        %get3A_295 = arith.index_cast %get3A_294 : i32 to index
        %get3A_296 = arith.index_cast %add3A_293 : i32 to index
        %get3A_297 = arith.constant 16 : index
        %get3A_298 = tpu.vector_load %arg6[%get3A_295, %get3A_296, %get3A_297] {strides = array<i32>} : memref<2x512x32xf32, #tpu.memory_space<vmem>>, vector<16xf32>,
        %broadcast_in_dim3A_299 = arith.constant 0 : i32
        %broadcast_in_dim3A_300 = vector.broadcast %broadcast_in_dim3A_299 : i32 to vector<16xi32>
        %add3A_301 = arith.constant 4 : i32
        %add3A_302 = arith.addi %mul3A_155, %add3A_301 : i32
        %add3A_303 = vector.broadcast %add3A_302 : i32 to vector<16xi32>
        %add3A_304 = arith.addi %broadcast_in_dim3A_300, %add3A_303 : vector<16xi32>
        %scatter3A_305 = arith.constant 0 : i32
        %scatter3A_306 = arith.constant 0 : i32
        %scatter3A_307 = arith.constant 0 : i32
        %scatter3A_308 = tpu.memref_slice %arg7[%scatter3A_305, %scatter3A_306, %scatter3A_307] : memref<2x32x520xf32, #tpu.memory_space<vmem>> -> memref<1x32x520xf32, #tpu.memory_space<vmem>>
        %scatter3A_309 = tpu.memref_squeeze %scatter3A_308 : memref<1x32x520xf32, #tpu.memory_space<vmem>> -> memref<32x520xf32, #tpu.memory_space<vmem>>
        tpu.vector_store_idx %scatter3A_309[%iota3A, %add3A_304], %get3A_291 : memref<32x520xf32, #tpu.memory_space<vmem>>[vector<16xi32>, vector<16xi32>], vector<16xf32>,
        %add3A_310 = arith.constant 16 : i32
        %add3A_311 = vector.broadcast %add3A_310 : i32 to vector<16xi32>
        %add3A_312 = arith.addi %iota3A, %add3A_311 : vector<16xi32>
        %scatter3A_313 = arith.constant 0 : i32
        %scatter3A_314 = arith.constant 0 : i32
        %scatter3A_315 = arith.constant 0 : i32
        %scatter3A_316 = tpu.memref_slice %arg7[%scatter3A_313, %scatter3A_314, %scatter3A_315] : memref<2x32x520xf32, #tpu.memory_space<vmem>> -> memref<1x32x520xf32, #tpu.memory_space<vmem>>
        %scatter3A_317 = tpu.memref_squeeze %scatter3A_316 : memref<1x32x520xf32, #tpu.memory_space<vmem>> -> memref<32x520xf32, #tpu.memory_space<vmem>>
        tpu.vector_store_idx %scatter3A_317[%add3A_312, %add3A_304], %get3A_298 : memref<32x520xf32, #tpu.memory_space<vmem>>[vector<16xi32>, vector<16xi32>], vector<16xf32>,
        %add3A_318 = arith.constant 5 : i32
        %add3A_319 = arith.addi %mul3A_155, %add3A_318 : i32
        %get3A_320 = arith.constant 0 : i32
        %get3A_321 = arith.index_cast %get3A_320 : i32 to index
        %get3A_322 = arith.index_cast %add3A_319 : i32 to index
        %get3A_323 = arith.constant 0 : index
        %get3A_324 = tpu.vector_load %arg6[%get3A_321, %get3A_322, %get3A_323] {strides = array<i32>} : memref<2x512x32xf32, #tpu.memory_space<vmem>>, vector<16xf32>,
        %add3A_325 = arith.constant 5 : i32
        %add3A_326 = arith.addi %mul3A_155, %add3A_325 : i32
        %get3A_327 = arith.constant 0 : i32
        %get3A_328 = arith.index_cast %get3A_327 : i32 to index
        %get3A_329 = arith.index_cast %add3A_326 : i32 to index
        %get3A_330 = arith.constant 16 : index
        %get3A_331 = tpu.vector_load %arg6[%get3A_328, %get3A_329, %get3A_330] {strides = array<i32>} : memref<2x512x32xf32, #tpu.memory_space<vmem>>, vector<16xf32>,
        %broadcast_in_dim3A_332 = arith.constant 0 : i32
        %broadcast_in_dim3A_333 = vector.broadcast %broadcast_in_dim3A_332 : i32 to vector<16xi32>
        %add3A_334 = arith.constant 5 : i32
        %add3A_335 = arith.addi %mul3A_155, %add3A_334 : i32
        %add3A_336 = vector.broadcast %add3A_335 : i32 to vector<16xi32>
        %add3A_337 = arith.addi %broadcast_in_dim3A_333, %add3A_336 : vector<16xi32>
        %scatter3A_338 = arith.constant 0 : i32
        %scatter3A_339 = arith.constant 0 : i32
        %scatter3A_340 = arith.constant 0 : i32
        %scatter3A_341 = tpu.memref_slice %arg7[%scatter3A_338, %scatter3A_339, %scatter3A_340] : memref<2x32x520xf32, #tpu.memory_space<vmem>> -> memref<1x32x520xf32, #tpu.memory_space<vmem>>
        %scatter3A_342 = tpu.memref_squeeze %scatter3A_341 : memref<1x32x520xf32, #tpu.memory_space<vmem>> -> memref<32x520xf32, #tpu.memory_space<vmem>>
        tpu.vector_store_idx %scatter3A_342[%iota3A, %add3A_337], %get3A_324 : memref<32x520xf32, #tpu.memory_space<vmem>>[vector<16xi32>, vector<16xi32>], vector<16xf32>,
        %add3A_343 = arith.constant 16 : i32
        %add3A_344 = vector.broadcast %add3A_343 : i32 to vector<16xi32>
        %add3A_345 = arith.addi %iota3A, %add3A_344 : vector<16xi32>
        %scatter3A_346 = arith.constant 0 : i32
        %scatter3A_347 = arith.constant 0 : i32
        %scatter3A_348 = arith.constant 0 : i32
        %scatter3A_349 = tpu.memref_slice %arg7[%scatter3A_346, %scatter3A_347, %scatter3A_348] : memref<2x32x520xf32, #tpu.memory_space<vmem>> -> memref<1x32x520xf32, #tpu.memory_space<vmem>>
        %scatter3A_350 = tpu.memref_squeeze %scatter3A_349 : memref<1x32x520xf32, #tpu.memory_space<vmem>> -> memref<32x520xf32, #tpu.memory_space<vmem>>
        tpu.vector_store_idx %scatter3A_350[%add3A_345, %add3A_337], %get3A_331 : memref<32x520xf32, #tpu.memory_space<vmem>>[vector<16xi32>, vector<16xi32>], vector<16xf32>,
        %add3A_351 = arith.constant 6 : i32
        %add3A_352 = arith.addi %mul3A_155, %add3A_351 : i32
        %get3A_353 = arith.constant 0 : i32
        %get3A_354 = arith.index_cast %get3A_353 : i32 to index
        %get3A_355 = arith.index_cast %add3A_352 : i32 to index
        %get3A_356 = arith.constant 0 : index
        %get3A_357 = tpu.vector_load %arg6[%get3A_354, %get3A_355, %get3A_356] {strides = array<i32>} : memref<2x512x32xf32, #tpu.memory_space<vmem>>, vector<16xf32>,
        %add3A_358 = arith.constant 6 : i32
        %add3A_359 = arith.addi %mul3A_155, %add3A_358 : i32
        %get3A_360 = arith.constant 0 : i32
        %get3A_361 = arith.index_cast %get3A_360 : i32 to index
        %get3A_362 = arith.index_cast %add3A_359 : i32 to index
        %get3A_363 = arith.constant 16 : index
        %get3A_364 = tpu.vector_load %arg6[%get3A_361, %get3A_362, %get3A_363] {strides = array<i32>} : memref<2x512x32xf32, #tpu.memory_space<vmem>>, vector<16xf32>,
        %broadcast_in_dim3A_365 = arith.constant 0 : i32
        %broadcast_in_dim3A_366 = vector.broadcast %broadcast_in_dim3A_365 : i32 to vector<16xi32>
        %add3A_367 = arith.constant 6 : i32
        %add3A_368 = arith.addi %mul3A_155, %add3A_367 : i32
        %add3A_369 = vector.broadcast %add3A_368 : i32 to vector<16xi32>
        %add3A_370 = arith.addi %broadcast_in_dim3A_366, %add3A_369 : vector<16xi32>
        %scatter3A_371 = arith.constant 0 : i32
        %scatter3A_372 = arith.constant 0 : i32
        %scatter3A_373 = arith.constant 0 : i32
        %scatter3A_374 = tpu.memref_slice %arg7[%scatter3A_371, %scatter3A_372, %scatter3A_373] : memref<2x32x520xf32, #tpu.memory_space<vmem>> -> memref<1x32x520xf32, #tpu.memory_space<vmem>>
        %scatter3A_375 = tpu.memref_squeeze %scatter3A_374 : memref<1x32x520xf32, #tpu.memory_space<vmem>> -> memref<32x520xf32, #tpu.memory_space<vmem>>
        tpu.vector_store_idx %scatter3A_375[%iota3A, %add3A_370], %get3A_357 : memref<32x520xf32, #tpu.memory_space<vmem>>[vector<16xi32>, vector<16xi32>], vector<16xf32>,
        %add3A_376 = arith.constant 16 : i32
        %add3A_377 = vector.broadcast %add3A_376 : i32 to vector<16xi32>
        %add3A_378 = arith.addi %iota3A, %add3A_377 : vector<16xi32>
        %scatter3A_379 = arith.constant 0 : i32
        %scatter3A_380 = arith.constant 0 : i32
        %scatter3A_381 = arith.constant 0 : i32
        %scatter3A_382 = tpu.memref_slice %arg7[%scatter3A_379, %scatter3A_380, %scatter3A_381] : memref<2x32x520xf32, #tpu.memory_space<vmem>> -> memref<1x32x520xf32, #tpu.memory_space<vmem>>
        %scatter3A_383 = tpu.memref_squeeze %scatter3A_382 : memref<1x32x520xf32, #tpu.memory_space<vmem>> -> memref<32x520xf32, #tpu.memory_space<vmem>>
        tpu.vector_store_idx %scatter3A_383[%add3A_378, %add3A_370], %get3A_364 : memref<32x520xf32, #tpu.memory_space<vmem>>[vector<16xi32>, vector<16xi32>], vector<16xf32>,
        %add3A_384 = arith.constant 7 : i32
        %add3A_385 = arith.addi %mul3A_155, %add3A_384 : i32
        %get3A_386 = arith.constant 0 : i32
        %get3A_387 = arith.index_cast %get3A_386 : i32 to index
        %get3A_388 = arith.index_cast %add3A_385 : i32 to index
        %get3A_389 = arith.constant 0 : index
        %get3A_390 = tpu.vector_load %arg6[%get3A_387, %get3A_388, %get3A_389] {strides = array<i32>} : memref<2x512x32xf32, #tpu.memory_space<vmem>>, vector<16xf32>,
        %add3A_391 = arith.constant 7 : i32
        %add3A_392 = arith.addi %mul3A_155, %add3A_391 : i32
        %get3A_393 = arith.constant 0 : i32
        %get3A_394 = arith.index_cast %get3A_393 : i32 to index
        %get3A_395 = arith.index_cast %add3A_392 : i32 to index
        %get3A_396 = arith.constant 16 : index
        %get3A_397 = tpu.vector_load %arg6[%get3A_394, %get3A_395, %get3A_396] {strides = array<i32>} : memref<2x512x32xf32, #tpu.memory_space<vmem>>, vector<16xf32>,
        %broadcast_in_dim3A_398 = arith.constant 0 : i32
        %broadcast_in_dim3A_399 = vector.broadcast %broadcast_in_dim3A_398 : i32 to vector<16xi32>
        %add3A_400 = arith.constant 7 : i32
        %add3A_401 = arith.addi %mul3A_155, %add3A_400 : i32
        %add3A_402 = vector.broadcast %add3A_401 : i32 to vector<16xi32>
        %add3A_403 = arith.addi %broadcast_in_dim3A_399, %add3A_402 : vector<16xi32>
        %scatter3A_404 = arith.constant 0 : i32
        %scatter3A_405 = arith.constant 0 : i32
        %scatter3A_406 = arith.constant 0 : i32
        %scatter3A_407 = tpu.memref_slice %arg7[%scatter3A_404, %scatter3A_405, %scatter3A_406] : memref<2x32x520xf32, #tpu.memory_space<vmem>> -> memref<1x32x520xf32, #tpu.memory_space<vmem>>
        %scatter3A_408 = tpu.memref_squeeze %scatter3A_407 : memref<1x32x520xf32, #tpu.memory_space<vmem>> -> memref<32x520xf32, #tpu.memory_space<vmem>>
        tpu.vector_store_idx %scatter3A_408[%iota3A, %add3A_403], %get3A_390 : memref<32x520xf32, #tpu.memory_space<vmem>>[vector<16xi32>, vector<16xi32>], vector<16xf32>,
        %add3A_409 = arith.constant 16 : i32
        %add3A_410 = vector.broadcast %add3A_409 : i32 to vector<16xi32>
        %add3A_411 = arith.addi %iota3A, %add3A_410 : vector<16xi32>
        %scatter3A_412 = arith.constant 0 : i32
        %scatter3A_413 = arith.constant 0 : i32
        %scatter3A_414 = arith.constant 0 : i32
        %scatter3A_415 = tpu.memref_slice %arg7[%scatter3A_412, %scatter3A_413, %scatter3A_414] : memref<2x32x520xf32, #tpu.memory_space<vmem>> -> memref<1x32x520xf32, #tpu.memory_space<vmem>>
        %scatter3A_416 = tpu.memref_squeeze %scatter3A_415 : memref<1x32x520xf32, #tpu.memory_space<vmem>> -> memref<32x520xf32, #tpu.memory_space<vmem>>
        tpu.vector_store_idx %scatter3A_416[%add3A_411, %add3A_403], %get3A_397 : memref<32x520xf32, #tpu.memory_space<vmem>>[vector<16xi32>, vector<16xi32>], vector<16xf32>,
      }
      %scan3A_89 = arith.constant 64 : i32
      %dma_start3A_90 = arith.constant 0 : i32
      %dma_start3A_91 = arith.constant 0 : i32
      %dma_start3A_92 = arith.constant 0 : i32
      %dma_start3A_93 = tpu.memref_slice %arg7[%dma_start3A_90, %dma_start3A_91, %dma_start3A_92] : memref<2x32x520xf32, #tpu.memory_space<vmem>> -> memref<1x32x512xf32, #tpu.memory_space<vmem>>
      %dma_start3A_94 = tpu.memref_squeeze %dma_start3A_93 : memref<1x32x512xf32, #tpu.memory_space<vmem>> -> memref<32x512xf32, #tpu.memory_space<vmem>>
      %dma_start3A_95 = arith.constant 0 : i32
      %dma_start3A_96 = tpu.memref_slice %arg4[%mul3A_52, %dma_start3A_95, %mul3A_2] : memref<50x32x16384xf32, #tpu.memory_space<hbm>> -> memref<1x32x512xf32, #tpu.memory_space<hbm>>
      %dma_start3A_97 = tpu.memref_squeeze %dma_start3A_96 : memref<1x32x512xf32, #tpu.memory_space<hbm>> -> memref<32x512xf32, #tpu.memory_space<hbm>>
      %dma_start3A_98 = arith.constant 0 : i32
      %dma_start3A_99 = tpu.memref_slice %arg4[%mul3A_52, %dma_start3A_98, %mul3A_2] : memref<50x32x16384xf32, #tpu.memory_space<hbm>> -> memref<1x32x512xf32, #tpu.memory_space<hbm>>
      %dma_start3A_100 = tpu.memref_squeeze %dma_start3A_99 : memref<1x32x512xf32, #tpu.memory_space<hbm>> -> memref<32x512xf32, #tpu.memory_space<hbm>>
      %dma_start3A_101 = arith.constant 0 : i32
      %dma_start3A_102 = arith.constant 0 : i32
      %dma_start3A_103 = tpu.memref_slice %arg7[%dma_start3A_90, %dma_start3A_101, %dma_start3A_102] : memref<2x32x520xf32, #tpu.memory_space<vmem>> -> memref<1x32x512xf32, #tpu.memory_space<vmem>>
      %dma_start3A_104 = tpu.memref_squeeze %dma_start3A_103 : memref<1x32x512xf32, #tpu.memory_space<vmem>> -> memref<32x512xf32, #tpu.memory_space<vmem>>
      tpu.enqueue_dma source(%dma_start3A_104 : memref<32x512xf32, #tpu.memory_space<vmem>>) target(%dma_start3A_100 : memref<32x512xf32, #tpu.memory_space<hbm>>) target_semaphore(%arg10 : memref<!tpu.dma_semaphore, #tpu.memory_space<semaphore_mem>>)
      %dma_wait3A_105 = arith.constant 0 : i32
      %dma_wait3A_106 = arith.constant 1 : i32
      %dma_wait3A_107 = arith.constant 0 : i32
      %dma_wait3A_108 = arith.constant 0 : i32
      %dma_wait3A_109 = tpu.memref_slice %arg6[%dma_wait3A_106, %dma_wait3A_107, %dma_wait3A_108] : memref<2x512x32xf32, #tpu.memory_space<vmem>> -> memref<1x512x32xf32, #tpu.memory_space<vmem>>
      %dma_wait3A_110 = tpu.memref_squeeze %dma_wait3A_109 : memref<1x512x32xf32, #tpu.memory_space<vmem>> -> memref<512x32xf32, #tpu.memory_space<vmem>>
      %dma_wait3A_111 = arith.constant 0 : i32
      %dma_wait3A_112 = tpu.memref_slice %arg4[%dma_wait3A_105, %dma_wait3A_111, %mul3A_2] : memref<50x32x16384xf32, #tpu.memory_space<hbm>> -> memref<1x32x512xf32, #tpu.memory_space<hbm>>
      %dma_wait3A_113 = tpu.memref_squeeze %dma_wait3A_112 : memref<1x32x512xf32, #tpu.memory_space<hbm>> -> memref<32x512xf32, #tpu.memory_space<hbm>>
      %dma_wait3A_114 = arith.constant 0 : i32
      %dma_wait3A_115 = arith.constant 0 : i32
      %dma_wait3A_116 = tpu.memref_slice %arg6[%dma_wait3A_106, %dma_wait3A_114, %dma_wait3A_115] : memref<2x512x32xf32, #tpu.memory_space<vmem>> -> memref<1x512x32xf32, #tpu.memory_space<vmem>>
      %dma_wait3A_117 = tpu.memref_squeeze %dma_wait3A_116 : memref<1x512x32xf32, #tpu.memory_space<vmem>> -> memref<512x32xf32, #tpu.memory_space<vmem>>
      %dma_wait3A_118 = arith.constant 0 : i32
      %dma_wait3A_119 = tpu.memref_slice %arg4[%dma_wait3A_105, %dma_wait3A_118, %mul3A_2] : memref<50x32x16384xf32, #tpu.memory_space<hbm>> -> memref<1x32x512xf32, #tpu.memory_space<hbm>>
      %dma_wait3A_120 = tpu.memref_squeeze %dma_wait3A_119 : memref<1x32x512xf32, #tpu.memory_space<hbm>> -> memref<32x512xf32, #tpu.memory_space<hbm>>
      tpu.wait_dma2 semaphore(%arg9 : memref<!tpu.dma_semaphore, #tpu.memory_space<semaphore_mem>>) src(%dma_wait3A_120 : memref<32x512xf32, #tpu.memory_space<hbm>>) dst(%dma_wait3A_117 : memref<512x32xf32, #tpu.memory_space<vmem>>)
      %lt3A = arith.constant 24 : i32
      %lt3A_121 = arith.cmpi slt, %scan3A_50, %lt3A : i32
      %convert_element_type3A_122 = arith.extui %lt3A_121 : i1 to i32
      %cond3A_123 = arith.constant 0 : i32
      %cond3A_124 = arith.cmpi ne, %convert_element_type3A_122, %cond3A_123 : i32
      scf.if %cond3A_124 {
        %add3A_153 = arith.constant 2 : i32
        %add3A_154 = arith.addi %mul3A_52, %add3A_153 : i32
        %dma_start3A_155 = arith.constant 0 : i32
        %dma_start3A_156 = arith.constant 0 : i32
        %dma_start3A_157 = arith.constant 0 : i32
        %dma_start3A_158 = tpu.memref_slice %arg6[%dma_start3A_155, %dma_start3A_156, %dma_start3A_157] : memref<2x512x32xf32, #tpu.memory_space<vmem>> -> memref<1x512x32xf32, #tpu.memory_space<vmem>>
        %dma_start3A_159 = tpu.memref_squeeze %dma_start3A_158 : memref<1x512x32xf32, #tpu.memory_space<vmem>> -> memref<512x32xf32, #tpu.memory_space<vmem>>
        %dma_start3A_160 = arith.constant 0 : i32
        %dma_start3A_161 = tpu.memref_slice %arg5[%add3A_154, %dma_start3A_160] : memref<50x512xi32, #tpu.memory_space<vmem>> -> memref<1x512xi32, #tpu.memory_space<vmem>>
        %dma_start3A_162 = tpu.memref_squeeze %dma_start3A_161 : memref<1x512xi32, #tpu.memory_space<vmem>> -> memref<512xi32, #tpu.memory_space<vmem>>
        %dma_start3A_163 = arith.constant 0 : i32
        %dma_start3A_164 = arith.constant 0 : i32
        %dma_start3A_165 = tpu.memref_slice %arg3[%dma_start3A_163, %dma_start3A_164] : memref<1000000x32xf32, #tpu.memory_space<hbm>> -> memref<1000000x32xf32, #tpu.memory_space<hbm>>
        tpu.enqueue_indirect_dma source(%dma_start3A_165 : memref<1000000x32xf32, #tpu.memory_space<hbm>>) target(%dma_start3A_159 : memref<512x32xf32, #tpu.memory_space<vmem>>) offsets(%dma_start3A_162 : memref<512xi32, #tpu.memory_space<vmem>>) semaphore(%arg8 : memref<!tpu.dma_semaphore, #tpu.memory_space<semaphore_mem>>)
      } else {
      }
      %gt3A_125 = arith.constant 0 : i32
      %gt3A_126 = arith.cmpi sgt, %scan3A_50, %gt3A_125 : i32
      %convert_element_type3A_127 = arith.extui %gt3A_126 : i1 to i32
      %cond3A_128 = arith.constant 0 : i32
      %cond3A_129 = arith.cmpi ne, %convert_element_type3A_127, %cond3A_128 : i32
      scf.if %cond3A_129 {
        %dma_wait3A_153 = arith.constant 0 : i32
        %dma_wait3A_154 = arith.constant 1 : i32
        %dma_wait3A_155 = arith.constant 0 : i32
        %dma_wait3A_156 = arith.constant 0 : i32
        %dma_wait3A_157 = tpu.memref_slice %arg6[%dma_wait3A_154, %dma_wait3A_155, %dma_wait3A_156] : memref<2x512x32xf32, #tpu.memory_space<vmem>> -> memref<1x512x32xf32, #tpu.memory_space<vmem>>
        %dma_wait3A_158 = tpu.memref_squeeze %dma_wait3A_157 : memref<1x512x32xf32, #tpu.memory_space<vmem>> -> memref<512x32xf32, #tpu.memory_space<vmem>>
        %dma_wait3A_159 = arith.constant 0 : i32
        %dma_wait3A_160 = tpu.memref_slice %arg4[%dma_wait3A_153, %dma_wait3A_159, %mul3A_2] : memref<50x32x16384xf32, #tpu.memory_space<hbm>> -> memref<1x32x512xf32, #tpu.memory_space<hbm>>
        %dma_wait3A_161 = tpu.memref_squeeze %dma_wait3A_160 : memref<1x32x512xf32, #tpu.memory_space<hbm>> -> memref<32x512xf32, #tpu.memory_space<hbm>>
        %dma_wait3A_162 = arith.constant 0 : i32
        %dma_wait3A_163 = arith.constant 0 : i32
        %dma_wait3A_164 = tpu.memref_slice %arg6[%dma_wait3A_154, %dma_wait3A_162, %dma_wait3A_163] : memref<2x512x32xf32, #tpu.memory_space<vmem>> -> memref<1x512x32xf32, #tpu.memory_space<vmem>>
        %dma_wait3A_165 = tpu.memref_squeeze %dma_wait3A_164 : memref<1x512x32xf32, #tpu.memory_space<vmem>> -> memref<512x32xf32, #tpu.memory_space<vmem>>
        %dma_wait3A_166 = arith.constant 0 : i32
        %dma_wait3A_167 = tpu.memref_slice %arg4[%dma_wait3A_153, %dma_wait3A_166, %mul3A_2] : memref<50x32x16384xf32, #tpu.memory_space<hbm>> -> memref<1x32x512xf32, #tpu.memory_space<hbm>>
        %dma_wait3A_168 = tpu.memref_squeeze %dma_wait3A_167 : memref<1x32x512xf32, #tpu.memory_space<hbm>> -> memref<32x512xf32, #tpu.memory_space<hbm>>
        tpu.wait_dma2 semaphore(%arg11 : memref<!tpu.dma_semaphore, #tpu.memory_space<semaphore_mem>>) src(%dma_wait3A_168 : memref<32x512xf32, #tpu.memory_space<hbm>>) dst(%dma_wait3A_165 : memref<512x32xf32, #tpu.memory_space<vmem>>)
      } else {
      }
      %add3A_130 = arith.constant 1 : i32
      %add3A_131 = arith.addi %mul3A_52, %add3A_130 : i32
      %scan3A_132 = arith.constant 0 : i32
      %scan3A_133 = arith.constant 0 : i32
      %scan3A_134 = arith.constant 64 : i32
      %scan3A_135 = arith.addi %scan3A_133, %scan3A_134 : i32
      %scan3A_136 = arith.constant 1 : i32
      scf.for %scan3A_153 = %scan3A_133 to %scan3A_135 step %scan3A_136  : i32 {
        %mul3A_154 = arith.constant 8 : i32
        %mul3A_155 = arith.muli %scan3A_153, %mul3A_154 : i32
        %add3A_156 = arith.constant 0 : i32
        %add3A_157 = arith.addi %mul3A_155, %add3A_156 : i32
        %get3A = arith.constant 1 : i32
        %get3A_158 = arith.index_cast %get3A : i32 to index
        %get3A_159 = arith.index_cast %add3A_157 : i32 to index
        %get3A_160 = arith.constant 0 : index
        %get3A_161 = tpu.vector_load %arg6[%get3A_158, %get3A_159, %get3A_160] {strides = array<i32>} : memref<2x512x32xf32, #tpu.memory_space<vmem>>, vector<16xf32>,
        %add3A_162 = arith.constant 0 : i32
        %add3A_163 = arith.addi %mul3A_155, %add3A_162 : i32
        %get3A_164 = arith.constant 1 : i32
        %get3A_165 = arith.index_cast %get3A_164 : i32 to index
        %get3A_166 = arith.index_cast %add3A_163 : i32 to index
        %get3A_167 = arith.constant 16 : index
        %get3A_168 = tpu.vector_load %arg6[%get3A_165, %get3A_166, %get3A_167] {strides = array<i32>} : memref<2x512x32xf32, #tpu.memory_space<vmem>>, vector<16xf32>,
        %broadcast_in_dim3A = arith.constant 0 : i32
        %broadcast_in_dim3A_169 = vector.broadcast %broadcast_in_dim3A : i32 to vector<16xi32>
        %add3A_170 = arith.constant 0 : i32
        %add3A_171 = arith.addi %mul3A_155, %add3A_170 : i32
        %add3A_172 = vector.broadcast %add3A_171 : i32 to vector<16xi32>
        %add3A_173 = arith.addi %broadcast_in_dim3A_169, %add3A_172 : vector<16xi32>
        %scatter3A = arith.constant 1 : i32
        %scatter3A_174 = arith.constant 0 : i32
        %scatter3A_175 = arith.constant 0 : i32
        %scatter3A_176 = tpu.memref_slice %arg7[%scatter3A, %scatter3A_174, %scatter3A_175] : memref<2x32x520xf32, #tpu.memory_space<vmem>> -> memref<1x32x520xf32, #tpu.memory_space<vmem>>
        %scatter3A_177 = tpu.memref_squeeze %scatter3A_176 : memref<1x32x520xf32, #tpu.memory_space<vmem>> -> memref<32x520xf32, #tpu.memory_space<vmem>>
        tpu.vector_store_idx %scatter3A_177[%iota3A, %add3A_173], %get3A_161 : memref<32x520xf32, #tpu.memory_space<vmem>>[vector<16xi32>, vector<16xi32>], vector<16xf32>,
        %add3A_178 = arith.constant 16 : i32
        %add3A_179 = vector.broadcast %add3A_178 : i32 to vector<16xi32>
        %add3A_180 = arith.addi %iota3A, %add3A_179 : vector<16xi32>
        %scatter3A_181 = arith.constant 1 : i32
        %scatter3A_182 = arith.constant 0 : i32
        %scatter3A_183 = arith.constant 0 : i32
        %scatter3A_184 = tpu.memref_slice %arg7[%scatter3A_181, %scatter3A_182, %scatter3A_183] : memref<2x32x520xf32, #tpu.memory_space<vmem>> -> memref<1x32x520xf32, #tpu.memory_space<vmem>>
        %scatter3A_185 = tpu.memref_squeeze %scatter3A_184 : memref<1x32x520xf32, #tpu.memory_space<vmem>> -> memref<32x520xf32, #tpu.memory_space<vmem>>
        tpu.vector_store_idx %scatter3A_185[%add3A_180, %add3A_173], %get3A_168 : memref<32x520xf32, #tpu.memory_space<vmem>>[vector<16xi32>, vector<16xi32>], vector<16xf32>,
        %add3A_186 = arith.constant 1 : i32
        %add3A_187 = arith.addi %mul3A_155, %add3A_186 : i32
        %get3A_188 = arith.constant 1 : i32
        %get3A_189 = arith.index_cast %get3A_188 : i32 to index
        %get3A_190 = arith.index_cast %add3A_187 : i32 to index
        %get3A_191 = arith.constant 0 : index
        %get3A_192 = tpu.vector_load %arg6[%get3A_189, %get3A_190, %get3A_191] {strides = array<i32>} : memref<2x512x32xf32, #tpu.memory_space<vmem>>, vector<16xf32>,
        %add3A_193 = arith.constant 1 : i32
        %add3A_194 = arith.addi %mul3A_155, %add3A_193 : i32
        %get3A_195 = arith.constant 1 : i32
        %get3A_196 = arith.index_cast %get3A_195 : i32 to index
        %get3A_197 = arith.index_cast %add3A_194 : i32 to index
        %get3A_198 = arith.constant 16 : index
        %get3A_199 = tpu.vector_load %arg6[%get3A_196, %get3A_197, %get3A_198] {strides = array<i32>} : memref<2x512x32xf32, #tpu.memory_space<vmem>>, vector<16xf32>,
        %broadcast_in_dim3A_200 = arith.constant 0 : i32
        %broadcast_in_dim3A_201 = vector.broadcast %broadcast_in_dim3A_200 : i32 to vector<16xi32>
        %add3A_202 = arith.constant 1 : i32
        %add3A_203 = arith.addi %mul3A_155, %add3A_202 : i32
        %add3A_204 = vector.broadcast %add3A_203 : i32 to vector<16xi32>
        %add3A_205 = arith.addi %broadcast_in_dim3A_201, %add3A_204 : vector<16xi32>
        %scatter3A_206 = arith.constant 1 : i32
        %scatter3A_207 = arith.constant 0 : i32
        %scatter3A_208 = arith.constant 0 : i32
        %scatter3A_209 = tpu.memref_slice %arg7[%scatter3A_206, %scatter3A_207, %scatter3A_208] : memref<2x32x520xf32, #tpu.memory_space<vmem>> -> memref<1x32x520xf32, #tpu.memory_space<vmem>>
        %scatter3A_210 = tpu.memref_squeeze %scatter3A_209 : memref<1x32x520xf32, #tpu.memory_space<vmem>> -> memref<32x520xf32, #tpu.memory_space<vmem>>
        tpu.vector_store_idx %scatter3A_210[%iota3A, %add3A_205], %get3A_192 : memref<32x520xf32, #tpu.memory_space<vmem>>[vector<16xi32>, vector<16xi32>], vector<16xf32>,
        %add3A_211 = arith.constant 16 : i32
        %add3A_212 = vector.broadcast %add3A_211 : i32 to vector<16xi32>
        %add3A_213 = arith.addi %iota3A, %add3A_212 : vector<16xi32>
        %scatter3A_214 = arith.constant 1 : i32
        %scatter3A_215 = arith.constant 0 : i32
        %scatter3A_216 = arith.constant 0 : i32
        %scatter3A_217 = tpu.memref_slice %arg7[%scatter3A_214, %scatter3A_215, %scatter3A_216] : memref<2x32x520xf32, #tpu.memory_space<vmem>> -> memref<1x32x520xf32, #tpu.memory_space<vmem>>
        %scatter3A_218 = tpu.memref_squeeze %scatter3A_217 : memref<1x32x520xf32, #tpu.memory_space<vmem>> -> memref<32x520xf32, #tpu.memory_space<vmem>>
        tpu.vector_store_idx %scatter3A_218[%add3A_213, %add3A_205], %get3A_199 : memref<32x520xf32, #tpu.memory_space<vmem>>[vector<16xi32>, vector<16xi32>], vector<16xf32>,
        %add3A_219 = arith.constant 2 : i32
        %add3A_220 = arith.addi %mul3A_155, %add3A_219 : i32
        %get3A_221 = arith.constant 1 : i32
        %get3A_222 = arith.index_cast %get3A_221 : i32 to index
        %get3A_223 = arith.index_cast %add3A_220 : i32 to index
        %get3A_224 = arith.constant 0 : index
        %get3A_225 = tpu.vector_load %arg6[%get3A_222, %get3A_223, %get3A_224] {strides = array<i32>} : memref<2x512x32xf32, #tpu.memory_space<vmem>>, vector<16xf32>,
        %add3A_226 = arith.constant 2 : i32
        %add3A_227 = arith.addi %mul3A_155, %add3A_226 : i32
        %get3A_228 = arith.constant 1 : i32
        %get3A_229 = arith.index_cast %get3A_228 : i32 to index
        %get3A_230 = arith.index_cast %add3A_227 : i32 to index
        %get3A_231 = arith.constant 16 : index
        %get3A_232 = tpu.vector_load %arg6[%get3A_229, %get3A_230, %get3A_231] {strides = array<i32>} : memref<2x512x32xf32, #tpu.memory_space<vmem>>, vector<16xf32>,
        %broadcast_in_dim3A_233 = arith.constant 0 : i32
        %broadcast_in_dim3A_234 = vector.broadcast %broadcast_in_dim3A_233 : i32 to vector<16xi32>
        %add3A_235 = arith.constant 2 : i32
        %add3A_236 = arith.addi %mul3A_155, %add3A_235 : i32
        %add3A_237 = vector.broadcast %add3A_236 : i32 to vector<16xi32>
        %add3A_238 = arith.addi %broadcast_in_dim3A_234, %add3A_237 : vector<16xi32>
        %scatter3A_239 = arith.constant 1 : i32
        %scatter3A_240 = arith.constant 0 : i32
        %scatter3A_241 = arith.constant 0 : i32
        %scatter3A_242 = tpu.memref_slice %arg7[%scatter3A_239, %scatter3A_240, %scatter3A_241] : memref<2x32x520xf32, #tpu.memory_space<vmem>> -> memref<1x32x520xf32, #tpu.memory_space<vmem>>
        %scatter3A_243 = tpu.memref_squeeze %scatter3A_242 : memref<1x32x520xf32, #tpu.memory_space<vmem>> -> memref<32x520xf32, #tpu.memory_space<vmem>>
        tpu.vector_store_idx %scatter3A_243[%iota3A, %add3A_238], %get3A_225 : memref<32x520xf32, #tpu.memory_space<vmem>>[vector<16xi32>, vector<16xi32>], vector<16xf32>,
        %add3A_244 = arith.constant 16 : i32
        %add3A_245 = vector.broadcast %add3A_244 : i32 to vector<16xi32>
        %add3A_246 = arith.addi %iota3A, %add3A_245 : vector<16xi32>
        %scatter3A_247 = arith.constant 1 : i32
        %scatter3A_248 = arith.constant 0 : i32
        %scatter3A_249 = arith.constant 0 : i32
        %scatter3A_250 = tpu.memref_slice %arg7[%scatter3A_247, %scatter3A_248, %scatter3A_249] : memref<2x32x520xf32, #tpu.memory_space<vmem>> -> memref<1x32x520xf32, #tpu.memory_space<vmem>>
        %scatter3A_251 = tpu.memref_squeeze %scatter3A_250 : memref<1x32x520xf32, #tpu.memory_space<vmem>> -> memref<32x520xf32, #tpu.memory_space<vmem>>
        tpu.vector_store_idx %scatter3A_251[%add3A_246, %add3A_238], %get3A_232 : memref<32x520xf32, #tpu.memory_space<vmem>>[vector<16xi32>, vector<16xi32>], vector<16xf32>,
        %add3A_252 = arith.constant 3 : i32
        %add3A_253 = arith.addi %mul3A_155, %add3A_252 : i32
        %get3A_254 = arith.constant 1 : i32
        %get3A_255 = arith.index_cast %get3A_254 : i32 to index
        %get3A_256 = arith.index_cast %add3A_253 : i32 to index
        %get3A_257 = arith.constant 0 : index
        %get3A_258 = tpu.vector_load %arg6[%get3A_255, %get3A_256, %get3A_257] {strides = array<i32>} : memref<2x512x32xf32, #tpu.memory_space<vmem>>, vector<16xf32>,
        %add3A_259 = arith.constant 3 : i32
        %add3A_260 = arith.addi %mul3A_155, %add3A_259 : i32
        %get3A_261 = arith.constant 1 : i32
        %get3A_262 = arith.index_cast %get3A_261 : i32 to index
        %get3A_263 = arith.index_cast %add3A_260 : i32 to index
        %get3A_264 = arith.constant 16 : index
        %get3A_265 = tpu.vector_load %arg6[%get3A_262, %get3A_263, %get3A_264] {strides = array<i32>} : memref<2x512x32xf32, #tpu.memory_space<vmem>>, vector<16xf32>,
        %broadcast_in_dim3A_266 = arith.constant 0 : i32
        %broadcast_in_dim3A_267 = vector.broadcast %broadcast_in_dim3A_266 : i32 to vector<16xi32>
        %add3A_268 = arith.constant 3 : i32
        %add3A_269 = arith.addi %mul3A_155, %add3A_268 : i32
        %add3A_270 = vector.broadcast %add3A_269 : i32 to vector<16xi32>
        %add3A_271 = arith.addi %broadcast_in_dim3A_267, %add3A_270 : vector<16xi32>
        %scatter3A_272 = arith.constant 1 : i32
        %scatter3A_273 = arith.constant 0 : i32
        %scatter3A_274 = arith.constant 0 : i32
        %scatter3A_275 = tpu.memref_slice %arg7[%scatter3A_272, %scatter3A_273, %scatter3A_274] : memref<2x32x520xf32, #tpu.memory_space<vmem>> -> memref<1x32x520xf32, #tpu.memory_space<vmem>>
        %scatter3A_276 = tpu.memref_squeeze %scatter3A_275 : memref<1x32x520xf32, #tpu.memory_space<vmem>> -> memref<32x520xf32, #tpu.memory_space<vmem>>
        tpu.vector_store_idx %scatter3A_276[%iota3A, %add3A_271], %get3A_258 : memref<32x520xf32, #tpu.memory_space<vmem>>[vector<16xi32>, vector<16xi32>], vector<16xf32>,
        %add3A_277 = arith.constant 16 : i32
        %add3A_278 = vector.broadcast %add3A_277 : i32 to vector<16xi32>
        %add3A_279 = arith.addi %iota3A, %add3A_278 : vector<16xi32>
        %scatter3A_280 = arith.constant 1 : i32
        %scatter3A_281 = arith.constant 0 : i32
        %scatter3A_282 = arith.constant 0 : i32
        %scatter3A_283 = tpu.memref_slice %arg7[%scatter3A_280, %scatter3A_281, %scatter3A_282] : memref<2x32x520xf32, #tpu.memory_space<vmem>> -> memref<1x32x520xf32, #tpu.memory_space<vmem>>
        %scatter3A_284 = tpu.memref_squeeze %scatter3A_283 : memref<1x32x520xf32, #tpu.memory_space<vmem>> -> memref<32x520xf32, #tpu.memory_space<vmem>>
        tpu.vector_store_idx %scatter3A_284[%add3A_279, %add3A_271], %get3A_265 : memref<32x520xf32, #tpu.memory_space<vmem>>[vector<16xi32>, vector<16xi32>], vector<16xf32>,
        %add3A_285 = arith.constant 4 : i32
        %add3A_286 = arith.addi %mul3A_155, %add3A_285 : i32
        %get3A_287 = arith.constant 1 : i32
        %get3A_288 = arith.index_cast %get3A_287 : i32 to index
        %get3A_289 = arith.index_cast %add3A_286 : i32 to index
        %get3A_290 = arith.constant 0 : index
        %get3A_291 = tpu.vector_load %arg6[%get3A_288, %get3A_289, %get3A_290] {strides = array<i32>} : memref<2x512x32xf32, #tpu.memory_space<vmem>>, vector<16xf32>,
        %add3A_292 = arith.constant 4 : i32
        %add3A_293 = arith.addi %mul3A_155, %add3A_292 : i32
        %get3A_294 = arith.constant 1 : i32
        %get3A_295 = arith.index_cast %get3A_294 : i32 to index
        %get3A_296 = arith.index_cast %add3A_293 : i32 to index
        %get3A_297 = arith.constant 16 : index
        %get3A_298 = tpu.vector_load %arg6[%get3A_295, %get3A_296, %get3A_297] {strides = array<i32>} : memref<2x512x32xf32, #tpu.memory_space<vmem>>, vector<16xf32>,
        %broadcast_in_dim3A_299 = arith.constant 0 : i32
        %broadcast_in_dim3A_300 = vector.broadcast %broadcast_in_dim3A_299 : i32 to vector<16xi32>
        %add3A_301 = arith.constant 4 : i32
        %add3A_302 = arith.addi %mul3A_155, %add3A_301 : i32
        %add3A_303 = vector.broadcast %add3A_302 : i32 to vector<16xi32>
        %add3A_304 = arith.addi %broadcast_in_dim3A_300, %add3A_303 : vector<16xi32>
        %scatter3A_305 = arith.constant 1 : i32
        %scatter3A_306 = arith.constant 0 : i32
        %scatter3A_307 = arith.constant 0 : i32
        %scatter3A_308 = tpu.memref_slice %arg7[%scatter3A_305, %scatter3A_306, %scatter3A_307] : memref<2x32x520xf32, #tpu.memory_space<vmem>> -> memref<1x32x520xf32, #tpu.memory_space<vmem>>
        %scatter3A_309 = tpu.memref_squeeze %scatter3A_308 : memref<1x32x520xf32, #tpu.memory_space<vmem>> -> memref<32x520xf32, #tpu.memory_space<vmem>>
        tpu.vector_store_idx %scatter3A_309[%iota3A, %add3A_304], %get3A_291 : memref<32x520xf32, #tpu.memory_space<vmem>>[vector<16xi32>, vector<16xi32>], vector<16xf32>,
        %add3A_310 = arith.constant 16 : i32
        %add3A_311 = vector.broadcast %add3A_310 : i32 to vector<16xi32>
        %add3A_312 = arith.addi %iota3A, %add3A_311 : vector<16xi32>
        %scatter3A_313 = arith.constant 1 : i32
        %scatter3A_314 = arith.constant 0 : i32
        %scatter3A_315 = arith.constant 0 : i32
        %scatter3A_316 = tpu.memref_slice %arg7[%scatter3A_313, %scatter3A_314, %scatter3A_315] : memref<2x32x520xf32, #tpu.memory_space<vmem>> -> memref<1x32x520xf32, #tpu.memory_space<vmem>>
        %scatter3A_317 = tpu.memref_squeeze %scatter3A_316 : memref<1x32x520xf32, #tpu.memory_space<vmem>> -> memref<32x520xf32, #tpu.memory_space<vmem>>
        tpu.vector_store_idx %scatter3A_317[%add3A_312, %add3A_304], %get3A_298 : memref<32x520xf32, #tpu.memory_space<vmem>>[vector<16xi32>, vector<16xi32>], vector<16xf32>,
        %add3A_318 = arith.constant 5 : i32
        %add3A_319 = arith.addi %mul3A_155, %add3A_318 : i32
        %get3A_320 = arith.constant 1 : i32
        %get3A_321 = arith.index_cast %get3A_320 : i32 to index
        %get3A_322 = arith.index_cast %add3A_319 : i32 to index
        %get3A_323 = arith.constant 0 : index
        %get3A_324 = tpu.vector_load %arg6[%get3A_321, %get3A_322, %get3A_323] {strides = array<i32>} : memref<2x512x32xf32, #tpu.memory_space<vmem>>, vector<16xf32>,
        %add3A_325 = arith.constant 5 : i32
        %add3A_326 = arith.addi %mul3A_155, %add3A_325 : i32
        %get3A_327 = arith.constant 1 : i32
        %get3A_328 = arith.index_cast %get3A_327 : i32 to index
        %get3A_329 = arith.index_cast %add3A_326 : i32 to index
        %get3A_330 = arith.constant 16 : index
        %get3A_331 = tpu.vector_load %arg6[%get3A_328, %get3A_329, %get3A_330] {strides = array<i32>} : memref<2x512x32xf32, #tpu.memory_space<vmem>>, vector<16xf32>,
        %broadcast_in_dim3A_332 = arith.constant 0 : i32
        %broadcast_in_dim3A_333 = vector.broadcast %broadcast_in_dim3A_332 : i32 to vector<16xi32>
        %add3A_334 = arith.constant 5 : i32
        %add3A_335 = arith.addi %mul3A_155, %add3A_334 : i32
        %add3A_336 = vector.broadcast %add3A_335 : i32 to vector<16xi32>
        %add3A_337 = arith.addi %broadcast_in_dim3A_333, %add3A_336 : vector<16xi32>
        %scatter3A_338 = arith.constant 1 : i32
        %scatter3A_339 = arith.constant 0 : i32
        %scatter3A_340 = arith.constant 0 : i32
        %scatter3A_341 = tpu.memref_slice %arg7[%scatter3A_338, %scatter3A_339, %scatter3A_340] : memref<2x32x520xf32, #tpu.memory_space<vmem>> -> memref<1x32x520xf32, #tpu.memory_space<vmem>>
        %scatter3A_342 = tpu.memref_squeeze %scatter3A_341 : memref<1x32x520xf32, #tpu.memory_space<vmem>> -> memref<32x520xf32, #tpu.memory_space<vmem>>
        tpu.vector_store_idx %scatter3A_342[%iota3A, %add3A_337], %get3A_324 : memref<32x520xf32, #tpu.memory_space<vmem>>[vector<16xi32>, vector<16xi32>], vector<16xf32>,
        %add3A_343 = arith.constant 16 : i32
        %add3A_344 = vector.broadcast %add3A_343 : i32 to vector<16xi32>
        %add3A_345 = arith.addi %iota3A, %add3A_344 : vector<16xi32>
        %scatter3A_346 = arith.constant 1 : i32
        %scatter3A_347 = arith.constant 0 : i32
        %scatter3A_348 = arith.constant 0 : i32
        %scatter3A_349 = tpu.memref_slice %arg7[%scatter3A_346, %scatter3A_347, %scatter3A_348] : memref<2x32x520xf32, #tpu.memory_space<vmem>> -> memref<1x32x520xf32, #tpu.memory_space<vmem>>
        %scatter3A_350 = tpu.memref_squeeze %scatter3A_349 : memref<1x32x520xf32, #tpu.memory_space<vmem>> -> memref<32x520xf32, #tpu.memory_space<vmem>>
        tpu.vector_store_idx %scatter3A_350[%add3A_345, %add3A_337], %get3A_331 : memref<32x520xf32, #tpu.memory_space<vmem>>[vector<16xi32>, vector<16xi32>], vector<16xf32>,
        %add3A_351 = arith.constant 6 : i32
        %add3A_352 = arith.addi %mul3A_155, %add3A_351 : i32
        %get3A_353 = arith.constant 1 : i32
        %get3A_354 = arith.index_cast %get3A_353 : i32 to index
        %get3A_355 = arith.index_cast %add3A_352 : i32 to index
        %get3A_356 = arith.constant 0 : index
        %get3A_357 = tpu.vector_load %arg6[%get3A_354, %get3A_355, %get3A_356] {strides = array<i32>} : memref<2x512x32xf32, #tpu.memory_space<vmem>>, vector<16xf32>,
        %add3A_358 = arith.constant 6 : i32
        %add3A_359 = arith.addi %mul3A_155, %add3A_358 : i32
        %get3A_360 = arith.constant 1 : i32
        %get3A_361 = arith.index_cast %get3A_360 : i32 to index
        %get3A_362 = arith.index_cast %add3A_359 : i32 to index
        %get3A_363 = arith.constant 16 : index
        %get3A_364 = tpu.vector_load %arg6[%get3A_361, %get3A_362, %get3A_363] {strides = array<i32>} : memref<2x512x32xf32, #tpu.memory_space<vmem>>, vector<16xf32>,
        %broadcast_in_dim3A_365 = arith.constant 0 : i32
        %broadcast_in_dim3A_366 = vector.broadcast %broadcast_in_dim3A_365 : i32 to vector<16xi32>
        %add3A_367 = arith.constant 6 : i32
        %add3A_368 = arith.addi %mul3A_155, %add3A_367 : i32
        %add3A_369 = vector.broadcast %add3A_368 : i32 to vector<16xi32>
        %add3A_370 = arith.addi %broadcast_in_dim3A_366, %add3A_369 : vector<16xi32>
        %scatter3A_371 = arith.constant 1 : i32
        %scatter3A_372 = arith.constant 0 : i32
        %scatter3A_373 = arith.constant 0 : i32
        %scatter3A_374 = tpu.memref_slice %arg7[%scatter3A_371, %scatter3A_372, %scatter3A_373] : memref<2x32x520xf32, #tpu.memory_space<vmem>> -> memref<1x32x520xf32, #tpu.memory_space<vmem>>
        %scatter3A_375 = tpu.memref_squeeze %scatter3A_374 : memref<1x32x520xf32, #tpu.memory_space<vmem>> -> memref<32x520xf32, #tpu.memory_space<vmem>>
        tpu.vector_store_idx %scatter3A_375[%iota3A, %add3A_370], %get3A_357 : memref<32x520xf32, #tpu.memory_space<vmem>>[vector<16xi32>, vector<16xi32>], vector<16xf32>,
        %add3A_376 = arith.constant 16 : i32
        %add3A_377 = vector.broadcast %add3A_376 : i32 to vector<16xi32>
        %add3A_378 = arith.addi %iota3A, %add3A_377 : vector<16xi32>
        %scatter3A_379 = arith.constant 1 : i32
        %scatter3A_380 = arith.constant 0 : i32
        %scatter3A_381 = arith.constant 0 : i32
        %scatter3A_382 = tpu.memref_slice %arg7[%scatter3A_379, %scatter3A_380, %scatter3A_381] : memref<2x32x520xf32, #tpu.memory_space<vmem>> -> memref<1x32x520xf32, #tpu.memory_space<vmem>>
        %scatter3A_383 = tpu.memref_squeeze %scatter3A_382 : memref<1x32x520xf32, #tpu.memory_space<vmem>> -> memref<32x520xf32, #tpu.memory_space<vmem>>
        tpu.vector_store_idx %scatter3A_383[%add3A_378, %add3A_370], %get3A_364 : memref<32x520xf32, #tpu.memory_space<vmem>>[vector<16xi32>, vector<16xi32>], vector<16xf32>,
        %add3A_384 = arith.constant 7 : i32
        %add3A_385 = arith.addi %mul3A_155, %add3A_384 : i32
        %get3A_386 = arith.constant 1 : i32
        %get3A_387 = arith.index_cast %get3A_386 : i32 to index
        %get3A_388 = arith.index_cast %add3A_385 : i32 to index
        %get3A_389 = arith.constant 0 : index
        %get3A_390 = tpu.vector_load %arg6[%get3A_387, %get3A_388, %get3A_389] {strides = array<i32>} : memref<2x512x32xf32, #tpu.memory_space<vmem>>, vector<16xf32>,
        %add3A_391 = arith.constant 7 : i32
        %add3A_392 = arith.addi %mul3A_155, %add3A_391 : i32
        %get3A_393 = arith.constant 1 : i32
        %get3A_394 = arith.index_cast %get3A_393 : i32 to index
        %get3A_395 = arith.index_cast %add3A_392 : i32 to index
        %get3A_396 = arith.constant 16 : index
        %get3A_397 = tpu.vector_load %arg6[%get3A_394, %get3A_395, %get3A_396] {strides = array<i32>} : memref<2x512x32xf32, #tpu.memory_space<vmem>>, vector<16xf32>,
        %broadcast_in_dim3A_398 = arith.constant 0 : i32
        %broadcast_in_dim3A_399 = vector.broadcast %broadcast_in_dim3A_398 : i32 to vector<16xi32>
        %add3A_400 = arith.constant 7 : i32
        %add3A_401 = arith.addi %mul3A_155, %add3A_400 : i32
        %add3A_402 = vector.broadcast %add3A_401 : i32 to vector<16xi32>
        %add3A_403 = arith.addi %broadcast_in_dim3A_399, %add3A_402 : vector<16xi32>
        %scatter3A_404 = arith.constant 1 : i32
        %scatter3A_405 = arith.constant 0 : i32
        %scatter3A_406 = arith.constant 0 : i32
        %scatter3A_407 = tpu.memref_slice %arg7[%scatter3A_404, %scatter3A_405, %scatter3A_406] : memref<2x32x520xf32, #tpu.memory_space<vmem>> -> memref<1x32x520xf32, #tpu.memory_space<vmem>>
        %scatter3A_408 = tpu.memref_squeeze %scatter3A_407 : memref<1x32x520xf32, #tpu.memory_space<vmem>> -> memref<32x520xf32, #tpu.memory_space<vmem>>
        tpu.vector_store_idx %scatter3A_408[%iota3A, %add3A_403], %get3A_390 : memref<32x520xf32, #tpu.memory_space<vmem>>[vector<16xi32>, vector<16xi32>], vector<16xf32>,
        %add3A_409 = arith.constant 16 : i32
        %add3A_410 = vector.broadcast %add3A_409 : i32 to vector<16xi32>
        %add3A_411 = arith.addi %iota3A, %add3A_410 : vector<16xi32>
        %scatter3A_412 = arith.constant 1 : i32
        %scatter3A_413 = arith.constant 0 : i32
        %scatter3A_414 = arith.constant 0 : i32
        %scatter3A_415 = tpu.memref_slice %arg7[%scatter3A_412, %scatter3A_413, %scatter3A_414] : memref<2x32x520xf32, #tpu.memory_space<vmem>> -> memref<1x32x520xf32, #tpu.memory_space<vmem>>
        %scatter3A_416 = tpu.memref_squeeze %scatter3A_415 : memref<1x32x520xf32, #tpu.memory_space<vmem>> -> memref<32x520xf32, #tpu.memory_space<vmem>>
        tpu.vector_store_idx %scatter3A_416[%add3A_411, %add3A_403], %get3A_397 : memref<32x520xf32, #tpu.memory_space<vmem>>[vector<16xi32>, vector<16xi32>], vector<16xf32>,
      }
      %scan3A_137 = arith.constant 64 : i32
      %dma_start3A_138 = arith.constant 1 : i32
      %dma_start3A_139 = arith.constant 0 : i32
      %dma_start3A_140 = arith.constant 0 : i32
      %dma_start3A_141 = tpu.memref_slice %arg7[%dma_start3A_138, %dma_start3A_139, %dma_start3A_140] : memref<2x32x520xf32, #tpu.memory_space<vmem>> -> memref<1x32x512xf32, #tpu.memory_space<vmem>>
      %dma_start3A_142 = tpu.memref_squeeze %dma_start3A_141 : memref<1x32x512xf32, #tpu.memory_space<vmem>> -> memref<32x512xf32, #tpu.memory_space<vmem>>
      %dma_start3A_143 = arith.constant 0 : i32
      %dma_start3A_144 = tpu.memref_slice %arg4[%add3A_131, %dma_start3A_143, %mul3A_2] : memref<50x32x16384xf32, #tpu.memory_space<hbm>> -> memref<1x32x512xf32, #tpu.memory_space<hbm>>
      %dma_start3A_145 = tpu.memref_squeeze %dma_start3A_144 : memref<1x32x512xf32, #tpu.memory_space<hbm>> -> memref<32x512xf32, #tpu.memory_space<hbm>>
      %dma_start3A_146 = arith.constant 0 : i32
      %dma_start3A_147 = tpu.memref_slice %arg4[%add3A_131, %dma_start3A_146, %mul3A_2] : memref<50x32x16384xf32, #tpu.memory_space<hbm>> -> memref<1x32x512xf32, #tpu.memory_space<hbm>>
      %dma_start3A_148 = tpu.memref_squeeze %dma_start3A_147 : memref<1x32x512xf32, #tpu.memory_space<hbm>> -> memref<32x512xf32, #tpu.memory_space<hbm>>
      %dma_start3A_149 = arith.constant 0 : i32
      %dma_start3A_150 = arith.constant 0 : i32
      %dma_start3A_151 = tpu.memref_slice %arg7[%dma_start3A_138, %dma_start3A_149, %dma_start3A_150] : memref<2x32x520xf32, #tpu.memory_space<vmem>> -> memref<1x32x512xf32, #tpu.memory_space<vmem>>
      %dma_start3A_152 = tpu.memref_squeeze %dma_start3A_151 : memref<1x32x512xf32, #tpu.memory_space<vmem>> -> memref<32x512xf32, #tpu.memory_space<vmem>>
      tpu.enqueue_dma source(%dma_start3A_152 : memref<32x512xf32, #tpu.memory_space<vmem>>) target(%dma_start3A_148 : memref<32x512xf32, #tpu.memory_space<hbm>>) target_semaphore(%arg11 : memref<!tpu.dma_semaphore, #tpu.memory_space<semaphore_mem>>)
    }
    %scan3A_18 = arith.constant 25 : i32
    %dma_wait3A = arith.constant 0 : i32
    %dma_wait3A_19 = arith.constant 0 : i32
    %dma_wait3A_20 = arith.constant 0 : i32
    %dma_wait3A_21 = arith.constant 0 : i32
    %dma_wait3A_22 = tpu.memref_slice %arg6[%dma_wait3A_19, %dma_wait3A_20, %dma_wait3A_21] : memref<2x512x32xf32, #tpu.memory_space<vmem>> -> memref<1x512x32xf32, #tpu.memory_space<vmem>>
    %dma_wait3A_23 = tpu.memref_squeeze %dma_wait3A_22 : memref<1x512x32xf32, #tpu.memory_space<vmem>> -> memref<512x32xf32, #tpu.memory_space<vmem>>
    %dma_wait3A_24 = arith.constant 0 : i32
    %dma_wait3A_25 = tpu.memref_slice %arg4[%dma_wait3A, %dma_wait3A_24, %mul3A_2] : memref<50x32x16384xf32, #tpu.memory_space<hbm>> -> memref<1x32x512xf32, #tpu.memory_space<hbm>>
    %dma_wait3A_26 = tpu.memref_squeeze %dma_wait3A_25 : memref<1x32x512xf32, #tpu.memory_space<hbm>> -> memref<32x512xf32, #tpu.memory_space<hbm>>
    %dma_wait3A_27 = arith.constant 0 : i32
    %dma_wait3A_28 = arith.constant 0 : i32
    %dma_wait3A_29 = tpu.memref_slice %arg6[%dma_wait3A_19, %dma_wait3A_27, %dma_wait3A_28] : memref<2x512x32xf32, #tpu.memory_space<vmem>> -> memref<1x512x32xf32, #tpu.memory_space<vmem>>
    %dma_wait3A_30 = tpu.memref_squeeze %dma_wait3A_29 : memref<1x512x32xf32, #tpu.memory_space<vmem>> -> memref<512x32xf32, #tpu.memory_space<vmem>>
    %dma_wait3A_31 = arith.constant 0 : i32
    %dma_wait3A_32 = tpu.memref_slice %arg4[%dma_wait3A, %dma_wait3A_31, %mul3A_2] : memref<50x32x16384xf32, #tpu.memory_space<hbm>> -> memref<1x32x512xf32, #tpu.memory_space<hbm>>
    %dma_wait3A_33 = tpu.memref_squeeze %dma_wait3A_32 : memref<1x32x512xf32, #tpu.memory_space<hbm>> -> memref<32x512xf32, #tpu.memory_space<hbm>>
    tpu.wait_dma2 semaphore(%arg10 : memref<!tpu.dma_semaphore, #tpu.memory_space<semaphore_mem>>) src(%dma_wait3A_33 : memref<32x512xf32, #tpu.memory_space<hbm>>) dst(%dma_wait3A_30 : memref<512x32xf32, #tpu.memory_space<vmem>>)
    %dma_wait3A_34 = arith.constant 0 : i32
    %dma_wait3A_35 = arith.constant 1 : i32
    %dma_wait3A_36 = arith.constant 0 : i32
    %dma_wait3A_37 = arith.constant 0 : i32
    %dma_wait3A_38 = tpu.memref_slice %arg6[%dma_wait3A_35, %dma_wait3A_36, %dma_wait3A_37] : memref<2x512x32xf32, #tpu.memory_space<vmem>> -> memref<1x512x32xf32, #tpu.memory_space<vmem>>
    %dma_wait3A_39 = tpu.memref_squeeze %dma_wait3A_38 : memref<1x512x32xf32, #tpu.memory_space<vmem>> -> memref<512x32xf32, #tpu.memory_space<vmem>>
    %dma_wait3A_40 = arith.constant 0 : i32
    %dma_wait3A_41 = tpu.memref_slice %arg4[%dma_wait3A_34, %dma_wait3A_40, %mul3A_2] : memref<50x32x16384xf32, #tpu.memory_space<hbm>> -> memref<1x32x512xf32, #tpu.memory_space<hbm>>
    %dma_wait3A_42 = tpu.memref_squeeze %dma_wait3A_41 : memref<1x32x512xf32, #tpu.memory_space<hbm>> -> memref<32x512xf32, #tpu.memory_space<hbm>>
    %dma_wait3A_43 = arith.constant 0 : i32
    %dma_wait3A_44 = arith.constant 0 : i32
    %dma_wait3A_45 = tpu.memref_slice %arg6[%dma_wait3A_35, %dma_wait3A_43, %dma_wait3A_44] : memref<2x512x32xf32, #tpu.memory_space<vmem>> -> memref<1x512x32xf32, #tpu.memory_space<vmem>>
    %dma_wait3A_46 = tpu.memref_squeeze %dma_wait3A_45 : memref<1x512x32xf32, #tpu.memory_space<vmem>> -> memref<512x32xf32, #tpu.memory_space<vmem>>
    %dma_wait3A_47 = arith.constant 0 : i32
    %dma_wait3A_48 = tpu.memref_slice %arg4[%dma_wait3A_34, %dma_wait3A_47, %mul3A_2] : memref<50x32x16384xf32, #tpu.memory_space<hbm>> -> memref<1x32x512xf32, #tpu.memory_space<hbm>>
    %dma_wait3A_49 = tpu.memref_squeeze %dma_wait3A_48 : memref<1x32x512xf32, #tpu.memory_space<hbm>> -> memref<32x512xf32, #tpu.memory_space<hbm>>
    tpu.wait_dma2 semaphore(%arg11 : memref<!tpu.dma_semaphore, #tpu.memory_space<semaphore_mem>>) src(%dma_wait3A_49 : memref<32x512xf32, #tpu.memory_space<hbm>>) dst(%dma_wait3A_46 : memref<512x32xf32, #tpu.memory_space<vmem>>)
    return
  }
}

</mosaic_0001>

<sc_bundles>
// kernel: kernel.3.cloned.1.call-start
scs
__scs_entry_jumppad:
0x0: {  	(pc) =	sbr.rel $0x88, $3  }
0x1: {  	(tag) =	ssettag $0x0;
	lr =	simm.s32 $0x1  }
0x2: {  	[smem:$0x3F9F] =	sst lr;
	_ =	strace $0xD0000000  }
0x3: {  	_ = 	snop  }
0x4: {  	_ = 	snop  }
0x5: {  	_ = 	snop  }
0x6: {  	_ = 	snop  }
0x7: {  	_ = 	snop  }
__scs_overlays_trampoline_lowered:
0x8: {  	[smem:$0x3FAE] =	sst s0  }
0x9: {  	[smem:$0x3FAF] =	sst s1  }
0xa: {  	[smem:$0x3FB0] =	sst s2  }
0xb: {  	[smem:$0x3FB1] =	sst s3  }
0xc: {  	[smem:$0x3FB2] =	sst s4  }
0xd: {  	[smem:$0x3FB3] =	sst s5  }
0xe: {  	[smem:$0x3FB4] =	sst s6  }
0xf: {  	[smem:$0x3FB5] =	sst s7  }
0x10: {  	[smem:$0x3FB6] =	sst s8  }
0x11: {  	[smem:$0x3FB7] =	sst s9;
	s0 =	simm.s32 @!p0 $0x0  }
0x12: {  	s1 =	sld [smem:$0x3F9D];
	s0 =	simm.s32 @p0 $0x1  }
0x13: {  	[smem:$0x3FB8] =	sst s0;
	s0 =	simm.s32 @!p1 $0x0  }
0x14: {  	s2 =	sld [smem:$0x3F9C];
	s0 =	simm.s32 @p1 $0x1  }
0x15: {  	[smem:$0x3FB9] =	sst s0;
	s0 =	simm.s32 @!p2 $0x0  }
0x16: {  	s3 =	sld [smem:$0x3FDB];
	s0 =	simm.s32 @p2 $0x1  }
0x17: {  	s4 =	simm.s32 $0x1BF5;
	[smem:$0x3FBB] =	sst s0  }
0x18: {  	s0 =	sld [smem:$0x3F9E];
	_ =	swait.ge [sflag:s4], $0x0  }
0x19: {  	s7 =	sld [smem:$0x3F9F]  }
0x1a: {  	s8 =	sadd.s32 $0xFFFFE003, lr  }
0x1b: {  	s9 =	sadd.s32 $0xFFFFFEF7, lr;
	s5 =	simm.s32 $0xFFFFFFFF;
	p2 =	slt.u32 s8, $0xFFFFF086  }
0x1c: {  	p1 =	slt.u32 s9, $0xF7A;
	s5 =	simm.s32 @!p2 $0x0  }
0x1d: {  	s5 =	simm.s32 @p1 $0x1;
	p0 =	seq.s32 s7, s2  }
0x1e: {  	s7 =	smul.u32 @!p0 $0xF7A, s2;
	p2 =	seq.s32 @!p0 s5, $0x0  }
0x1f: {  	s9 =	smul.u32 $0xF7A, s1;
	s8 =	simm.s32 @!p0 $0x1BF5;
	p2 =	por !p2, p0  }
0x20: {  	[sflag:s8] =	ssyncset.s32 @!p0 $0xFFFFF086;
	s6 =	sadd.s32 @!p0 s3, s7;
	s7 =	simm.s32 @!p0 $0x108  }
0x21: {  	s3 =	sadd.s32 s3, s9;
	s6 =	sadd.s32 @!p0 $0x88, s6;
	s7 =	simm.s32 @p2 $0x1082  }
0x22: {  	[simem:s7], [sflag:s8] =	dma.local @!p0 [hbm:s6], $0xF7A  }
0x23: {  	s9 =	sor.u32 $0xD0000000, s2;
	s6 =	simm.s32 $0x108;
	_ =	swait.ge @!p0 [sflag:s8], $0x0  }
0x24: {  	s3 =	sadd.s32 $0x88, s3;
	s6 =	simm.s32 @!p1 $0x1082;
	[sflag:s4] =	ssyncset.s32 $0xFFFFF086  }
0x25: {  	[simem:s6], [sflag:s4] =	dma.local [hbm:s3], $0xF7A  }
0x26: {  	[smem:$0x3F9F] =	sst s1;
	(tag) =	ssettag s2;
	_ =	strace s9  }
0x27: {  	s1 =	sld [smem:$0x3FAF]  }
0x28: {  	s2 =	sld [smem:$0x3FB0]  }
0x29: {  	s4 =	sld [smem:$0x3FB2]  }
0x2a: {  	p0 =	seq.s32 s5, $0x0;
	s5 =	sld [smem:$0x3FB3]  }
0x2b: {  	s6 =	sld [smem:$0x3FB4]  }
0x2c: {  	s7 =	sld [smem:$0x3FB5]  }
0x2d: {  	s3 =	simm.s32 $0x108;
	s8 =	sld [smem:$0x3FB6]  }
0x2e: {  	s3 =	simm.s32 @!p0 $0x1082;
	s9 =	sld [smem:$0x3FB7]  }
0x2f: {  	lr =	sadd.s32 s0, s3;
	s0 =	sld [smem:$0x3FAE]  }
0x30: {  	s3 =	sld [smem:$0x3FB1]  }
0x31: {  	[smem:$0x3FBA] =	sst s10  }
0x32: {  	s10 =	sld [smem:$0x3FB8];
	_ =	sdelay $0x3  }
0x33: {  	p0 =	seq.s32 s10, $0x1;
	s10 =	sld [smem:$0x3FBA];
	_ =	sdelay $0x3  }
0x34: {  	[smem:$0x3FBA] =	sst s10  }
0x35: {  	s10 =	sld [smem:$0x3FB9];
	_ =	sdelay $0x3  }
0x36: {  	p1 =	seq.s32 s10, $0x1;
	s10 =	sld [smem:$0x3FBA];
	_ =	sdelay $0x3  }
0x37: {  	[smem:$0x3FBA] =	sst s10  }
0x38: {  	s10 =	sld [smem:$0x3FBB]  }
0x39: {  	_ = 	snop;
	(pc) =	sbr.ind lr, $3  }
0x3a: {  	_ = 	snop  }
0x3b: {  	_ = 	snop  }
0x3c: {  	p2 =	seq.s32 s10, $0x1;
	s10 =	sld [smem:$0x3FBA]  }
0x3d: {  	_ =	shalt  }
0x3e: {  	_ =	shalt  }
0x3f: {  	_ =	shalt  }
0x40: {  	_ =	shalt  }
0x41: {  	_ =	shalt  }
0x42: {  	_ =	shalt  }
0x43: {  	_ =	shalt  }
0x44: {  	_ =	shalt  }
0x45: {  	_ =	shalt  }
0x46: {  	_ =	shalt  }
0x47: {  	_ =	shalt  }
0x48: {  	_ =	shalt  }
0x49: {  	_ =	shalt  }
0x4a: {  	_ =	shalt  }
0x4b: {  	_ =	shalt  }
0x4c: {  	_ =	shalt  }
0x4d: {  	_ =	shalt  }
0x4e: {  	_ =	shalt  }
0x4f: {  	_ =	shalt  }
0x50: {  	_ =	shalt  }
0x51: {  	_ =	shalt  }
0x52: {  	_ =	shalt  }
0x53: {  	_ =	shalt  }
0x54: {  	_ =	shalt  }
0x55: {  	_ =	shalt  }
0x56: {  	_ =	shalt  }
0x57: {  	_ =	shalt  }
0x58: {  	_ =	shalt  }
0x59: {  	_ =	shalt  }
0x5a: {  	_ =	shalt  }
0x5b: {  	_ =	shalt  }
0x5c: {  	_ =	shalt  }
0x5d: {  	_ =	shalt  }
0x5e: {  	_ =	shalt  }
0x5f: {  	_ =	shalt  }
0x60: {  	_ =	shalt  }
0x61: {  	_ =	shalt  }
0x62: {  	_ =	shalt  }
0x63: {  	_ =	shalt  }
0x64: {  	_ =	shalt  }
0x65: {  	_ =	shalt  }
0x66: {  	_ =	shalt  }
0x67: {  	_ =	shalt  }
0x68: {  	_ =	shalt  }
0x69: {  	_ =	shalt  }
0x6a: {  	_ =	shalt  }
0x6b: {  	_ =	shalt  }
0x6c: {  	_ =	shalt  }
0x6d: {  	_ =	shalt  }
0x6e: {  	_ =	shalt  }
0x6f: {  	_ =	shalt  }
0x70: {  	_ =	shalt  }
0x71: {  	_ =	shalt  }
0x72: {  	_ =	shalt  }
0x73: {  	_ =	shalt  }
0x74: {  	_ =	shalt  }
0x75: {  	_ =	shalt  }
0x76: {  	_ =	shalt  }
0x77: {  	_ =	shalt  }
0x78: {  	_ =	shalt  }
0x79: {  	_ =	shalt  }
0x7a: {  	_ =	shalt  }
0x7b: {  	_ =	shalt  }
0x7c: {  	_ =	shalt  }
0x7d: {  	_ =	shalt  }
0x7e: {  	_ =	shalt  }
0x7f: {  	_ =	shalt  }
0x80: {  	_ =	shalt  }
0x81: {  	_ =	shalt  }
0x82: {  	_ =	shalt  }
0x83: {  	_ =	shalt  }
0x84: {  	_ =	shalt  }
0x85: {  	_ =	shalt  }
0x86: {  	_ =	shalt  }
0x87: {  	_ =	shalt  }
.Lfunc_end0:
.L_simem_size_0:
called_computation_lowered:
.L_overlay_start_0:
0x88: {  	s2 =	sld [smem:$0x3FD9]  }
0x89: {  	s3 =	sld [smem:$0x3FFE];
	_ =	sdelay $0x1  }
0x8a: {  	s1 =	srdreg.scid  }
0x8b: {  	s0 =	sand.u32 $0x1, s1  }
0x8c: {  	s17 =	sshll.u32 s0, $0xA;
	s2 =	sadd.s32 s3, s2  }
0x8d: {  	s2 =	sadd.s32 s2, s17  }
0x8e: {  	[smem:$0x3FC6] =	sst s2  }
0x8f: {  	_ = 	snop  }
0x90: {  	s2 =	sld [smem:$0x3FD0];
	(tm) =	ssettm $0x1  }
0x91: {  	s18 =	sld [smem:$0x3FFB];
	_ =	sdelay $0x3  }
0x92: {  	_ =	strace s18  }
0x93: {  	s3 =	sld [smem:$0x3FFC];
	_ =	sdelay $0x3  }
0x94: {  	_ =	strace s3  }
0x95: {  	s3 =	sld [smem:$0x3FFD];
	_ =	sdelay $0x3  }
0x96: {  	_ =	strace s3  }
0x97: {  	_ =	strace $0x8FFFFFFF  }
0x98: {  	s19 =	sld [smem:$0x3FDB];
	_ =	sdelay $0x1  }
0x99: {  	s4 =	simm.s32 $_scs_section_size  }
0x9a: {  	s5 =	simm.s32 $_size__tile_overlayer_lowered;
	s6 =	simm.s32 $_tile_overlayer_lowered  }
0x9b: {  	s22 =	simm.s32 $0x1BFF;
	s21 =	sshll.u32 s6, $0x1;
	s3 =	sadd.s32 s4, s19  }
0x9c: {  	s7 =	simm.s32 $0x0;
	s20 =	sshll.u32 s5, $0x1;
	s5 =	sadd.s32 s21, s3  }
0x9d: {  	[timem:s7], [sflag:s22] =	dma.local [hbm:s5], s20  }
0x9e: {  	_ =	swait.ge [sflag:s22], s20  }
0x9f: {  	s4 =	ssub.s32 $0x0, s20;
	[sflag:s22] =	ssyncset.done $0x0  }
0xa0: {  	[sflag:s22] =	ssyncadd.s32 s4;
	_ =	sdelay $0x1  }
0xa1: {  	s23 =	simm.s32 $0x1B8B  }
0xa2: {  	_ =	swait.ge [sflag:s23], $0x1  }
0xa3: {  	[sflag:s23] =	ssyncset.done $0x0  }
0xa4: {  	s25 =	simm.s32 $0x1B8E;
	s24 =	sld [smem:$0x3FFE];
	[sflag:s23] =	ssyncadd.s32 $0xFFFFFFFF  }
0xa5: {  	s26 =	simm.s32 $execute0_lowered;
	[smem:$0x3FD2] =	sst s25  }
0xa6: {  	s5 =	sshll.u32 s26, $0x1;
	_ =	strace $0x80000046;
	[dreg:$0x1] =	wrdreg $0xFFFFFFFF  }
0xa7: {  	s28 =	simm.s32 $_size_execute0_lowered;
	s3 =	sadd.s32 s3, s5;
	[dreg:$0x0] =	wrdreg $0x0  }
0xa8: {  	s5 =	sshll.u32 s28, $0x1;
	[dreg:$0x2] =	wrdreg s3  }
0xa9: {  	[dreg:$0x3] =	wrdreg s5  }
0xaa: {  	[dreg:$0x4] =	wrdreg $0xC0  }
0xab: {  	_ =	task [dreg:s7], $0x5FFFF  }
0xac: {  	[dreg:$0x1] =	wrdreg $0xFFFFFFFF  }
0xad: {  	[dreg:$0x0] =	wrdreg $0x60  }
0xae: {  	[dreg:$0x2] =	wrdreg s2  }
0xaf: {  	[dreg:$0x3] =	wrdreg s24  }
0xb0: {  	[dreg:$0x4] =	wrdreg $0x9  }
0xb1: {  	_ =	task.clear_ibuf [dreg:s7], $0x5FFFF;
	_ =	strace $0x90000046  }
0xb2: {  	s29 =	simm.s32 $0x9;
	_ =	strace $0x80000048  }
0xb3: {  	_ =	swait.ge [sflag:s29], $0x1  }
0xb4: {  	[sflag:s29] =	ssyncadd.s32 $0xFFFFFFFF  }
0xb5: {  	_ =	strace $0x90000048  }
0xb6: {  	_ =	sfence  }
0xb7: {  	s30 =	sld [smem:$0x0];
	_ =	sdelay $0x2  }
0xb8: {  	s31 =	sshll.u32 s1, $0xD;
	s1 =	sshrl.u32 s1, $0x2  }
0xb9: {  	s3 =	sand.u32 $0x4000, s31;
	s1 =	sadd.s32 s1, s30  }
0xba: {  	s0 =	sor.u32 s3, s0;
	s1 =	sshll.u32 s1, $0x11  }
0xbb: {  	s0 =	sor.u32 s1, s0  }
0xbc: {  	s0 =	sadd.s32 $0x8F2B, s0  }
0xbd: {  	[sflag:s0] =	ssyncadd.remote.s32 $0x1  }
0xbe: {  	_ =	sfence.sel $0xFFFF  }
0xbf: {  	[dreg:$0x0] =	wrdreg $0xFFFFFFFF;
	(pc) =	sbr.abs _section_cstart, $3  }
0xc0: {  	[dreg:$0x1] =	wrdreg $0xFFFFFFFF  }
0xc1: {  	_ =	task.clear_ibuf [dreg:s7], $0x2FFFF;
	_ =	strace $0x9FFFFFFF  }
0xc2: {  	(tm) =	ssettm $0x7FFFFFFF  }
0xc3: {  	_ =	shalt  }
tec
execute0_lowered:
.L_overlay_start_1:
0x0: {  	(tag) =	ssettag $0x1  }
0x1: {  	s6 =	rddreg [dreg:$0x0]  }
0x2: {  	s5 =	rddreg [dreg:$0x1]  }
0x3: {  	s0 =	rddreg [dreg:$0x2];
	s2 =	simm.s32 $0x0;
	s3 =	srdreg.scid  }
0x4: {  	s1 =	stileid.u32;
	s9 =	simm.s32 $0x4000;
	s10 =	simm.s32 $0x5  }
0x5: {  	v0 =	vlaneseq.u32;
	s11 =	simm.s32 $0x6400;
	s12 =	simm.s32 $0x1;
	s13 =	simm.s32 $0xA400  }
0x6: {  	v1 =	vimm.s32 $0x0;
	vm0 =	vcmask $0x300;
	s14 =	simm.s32 $0xE400;
	s15 =	simm.s32 $0x2;
	s16 =	simm.s32 $0x12500;
	v0 =	vmul.u32 $0x208, v0  }
0x7: {  	s17 =	simm.s32 $0x3;
	s18 =	simm.s32 $0x4;
	s19 =	simm.s32 $0x0;
	v1 =	vsel vm0, $0x3, v1  }
0x8: {  	[smem:$0x7FF] =	sst s2;
	s3 =	sand.u32 $0x1, s3;
	s4 =	sshll.u32 s1, $0xA;
	v2 =	vadd.s32 $0x2080, v0;
	v3 =	vor.u32 $0x1, v0;
	v4 =	vadd.s32 $0x2081, v0  }
0x9: {  	s7 =	ssub.s32 $0x2, s3;
	s3 =	sshll.u32 s3, $0x9;
	_ =	strace $0x80000047;
	v5 =	vor.u32 $0x2, v0;
	v6 =	vadd.s32 $0x2082, v0;
	v7 =	vor.u32 $0x3, v0  }
0xa: {  	s8 =	sshrl.u32 s7, $0x1;
	s3 =	sor.u32 s3, s4;
	s4 =	sadd.s32 $0xF42A00, s5;
	v8 =	vadd.s32 $0x2083, v0;
	v9 =	vor.u32 $0x4, v0;
	v10 =	vadd.s32 $0x2084, v0  }
0xb: {  	s5 =	sadd.s32 $0x600, s5;
	v11 =	vor.u32 $0x5, v0;
	v12 =	vadd.s32 $0x2085, v0;
	v13 =	vor.u32 $0x6, v0;
	s7 =	ssub.s32 s7, s8;
	s31 =	sshrl.u32 s3, $0x3  }
0xc: {  	v14 =	vadd.s32 $0x2086, v0;
	v15 =	vor.u32 $0x7, v0;
	v16 =	vadd.s32 $0x2087, v0;
	s8 =	simm.s32 $0x200;
	s6 =	sadd.s32 s6, s31;
	s7 =	smax.u32 s7, $0x1  }
.LBB2_1:
0xd: {  	[tilespmem:s2], [sflag:$0x5] =	stream.strided.gather [hbm4b:s6+s8], $0x6400, s9, s8, $0x38;
	[tilespmem:$0x16600] =	vst v63  }
0xe: {  	_ =	swait.ge [sflag:s10], $0x6400  }
0xf: {  	[sflag:s10] =	ssyncset.done $0x0  }
0x10: {  	s20 =	simm.s32 $0x0;
	[sflag:s10] =	ssyncadd.s32 $0xFFFF9C00  }
0x11: {  	[tilespmem:s11], [sflag:$0x1] =	stream.indirect.gather [hbm4b:s4+s8], $0x20, s2, s8, $0xb8;
	[tilespmem:$0x16600] =	vst v63  }
.LBB2_2:
0x12: {  	_ =	swait.ge [sflag:s12], $0x4000;
	s21 =	sshllo.u32 s20, $0x1  }
0x13: {  	s23 =	simm.s32 $0x0;
	[sflag:s12] =	ssyncset.done $0x0;
	s22 =	sshll.u32 s21, $0x9  }
0x14: {  	p0 =	seq.s32 s20, $0x0;
	[sflag:s12] =	ssyncadd.s32 $0xFFFFC000;
	s22 =	sand.u32 $0x3FFFFE00, s22  }
0x15: {  	v17 =	vmov s23;
	[tilespmem:s13], [sflag:$0x2] =	stream.indirect.gather [hbm4b:s4+s8], $0x20, s22, s8, $0xb8;
	[tilespmem:$0x16600] =	vst v63  }
0x16: {  	v17 =	vshrl.u32 v17, $0x3;
	s22 =	simm.s32 @!p0 $0x3  }
0x17: {  	v17 =	vshll.u32 v17, v1;
	_ =	swait.ge @!p0 [sflag:s22], $0x4000  }
0x18: {  	v17 =	vbroadcast v17, $0x0;
	[sflag:s22] =	ssyncset.done @!p0 $0x0  }
0x19: {  	[sflag:s22] =	ssyncadd.s32 @!p0 $0xFFFFC000;
	s22 =	simm.s32 $0x6480  }
0x1a: {  	v19 =	vadd.s32 v0, v17;
	v18 =	vld [tilespmem:s22+$0xFFFFFF80]  }
0x1b: {  	s23 =	simm.s32 $0x1;
	v17 =	vadd.s32 v2, v17;
	v20 =	vld [tilespmem:s22+$0xFFFFFF90]  }
0x1c: {  	v21 =	vmov s23  }
0x1d: {  	v21 =	vshrl.u32 v21, $0x3  }
0x1e: {  	v21 =	vshll.u32 v21, v1  }
0x1f: {  	[tilespmem:v19+s14+$0x0] =	vst.idx.msk $0xffff, v18;
	v18 =	vbroadcast v21, $0x0  }
0x20: {  	[tilespmem:v17+s14+$0x0] =	vst.idx.msk $0xffff, v20  }
0x21: {  	v17 =	vld [tilespmem:s22+$0xFFFFFFA0];
	v19 =	vadd.s32 v3, v18  }
0x22: {  	s24 =	simm.s32 $0x2;
	v20 =	vld [tilespmem:s22+$0xFFFFFFB0];
	v18 =	vadd.s32 v4, v18  }
0x23: {  	v58 =	vmov s24  }
0x24: {  	v21 =	vshrl.u32 v58, $0x3  }
0x25: {  	v21 =	vshll.u32 v21, v1  }
0x26: {  	[tilespmem:v19+s14+$0x0] =	vst.idx.msk $0xffff, v17;
	v17 =	vbroadcast v21, $0x0  }
0x27: {  	[tilespmem:v18+s14+$0x0] =	vst.idx.msk $0xffff, v20  }
0x28: {  	v18 =	vld [tilespmem:s22+$0xFFFFFFC0];
	v19 =	vadd.s32 v5, v17  }
0x29: {  	s25 =	simm.s32 $0x3;
	v20 =	vld [tilespmem:s22+$0xFFFFFFD0];
	v17 =	vadd.s32 v6, v17  }
0x2a: {  	v59 =	vmov s25  }
0x2b: {  	v21 =	vshrl.u32 v59, $0x3  }
0x2c: {  	v21 =	vshll.u32 v21, v1  }
0x2d: {  	[tilespmem:v19+s14+$0x0] =	vst.idx.msk $0xffff, v18;
	v18 =	vbroadcast v21, $0x0  }
0x2e: {  	[tilespmem:v17+s14+$0x0] =	vst.idx.msk $0xffff, v20  }
0x2f: {  	v17 =	vld [tilespmem:s22+$0xFFFFFFE0];
	v19 =	vadd.s32 v7, v18  }
0x30: {  	s26 =	simm.s32 $0x4;
	v20 =	vld [tilespmem:s22+$0xFFFFFFF0];
	v18 =	vadd.s32 v8, v18  }
0x31: {  	v60 =	vmov s26  }
0x32: {  	v21 =	vshrl.u32 v60, $0x3  }
0x33: {  	v21 =	vshll.u32 v21, v1  }
0x34: {  	[tilespmem:v19+s14+$0x0] =	vst.idx.msk $0xffff, v17;
	v17 =	vbroadcast v21, $0x0  }
0x35: {  	[tilespmem:v18+s14+$0x0] =	vst.idx.msk $0xffff, v20  }
0x36: {  	v18 =	vld [tilespmem:s22+$0x0];
	v19 =	vadd.s32 v9, v17  }
0x37: {  	s28 =	simm.s32 $0x5;
	v20 =	vld [tilespmem:s22+$0x10];
	v17 =	vadd.s32 v10, v17  }
0x38: {  	v61 =	vmov s28  }
0x39: {  	v21 =	vshrl.u32 v61, $0x3  }
0x3a: {  	v21 =	vshll.u32 v21, v1  }
0x3b: {  	[tilespmem:v19+s14+$0x0] =	vst.idx.msk $0xffff, v18;
	v18 =	vbroadcast v21, $0x0  }
0x3c: {  	[tilespmem:v17+s14+$0x0] =	vst.idx.msk $0xffff, v20  }
0x3d: {  	v17 =	vld [tilespmem:s22+$0x20];
	v19 =	vadd.s32 v11, v18  }
0x3e: {  	s29 =	simm.s32 $0x6;
	v20 =	vld [tilespmem:s22+$0x30];
	v18 =	vadd.s32 v12, v18  }
0x3f: {  	v62 =	vmov s29  }
0x40: {  	v21 =	vshrl.u32 v62, $0x3  }
0x41: {  	v21 =	vshll.u32 v21, v1  }
0x42: {  	[tilespmem:v19+s14+$0x0] =	vst.idx.msk $0xffff, v17;
	v17 =	vbroadcast v21, $0x0  }
0x43: {  	[tilespmem:v18+s14+$0x0] =	vst.idx.msk $0xffff, v20  }
0x44: {  	v18 =	vld [tilespmem:s22+$0x40];
	v19 =	vadd.s32 v13, v17  }
0x45: {  	s30 =	simm.s32 $0x7;
	v20 =	vld [tilespmem:s22+$0x50];
	v17 =	vadd.s32 v14, v17  }
0x46: {  	v63 =	vmov s30  }
0x47: {  	v21 =	vshrl.u32 v63, $0x3  }
0x48: {  	v21 =	vshll.u32 v21, v1  }
0x49: {  	[tilespmem:v19+s14+$0x0] =	vst.idx.msk $0xffff, v18;
	v18 =	vbroadcast v21, $0x0  }
0x4a: {  	s31 =	simm.s32 $0x8;
	[tilespmem:v17+s14+$0x0] =	vst.idx.msk $0xffff, v20  }
0x4b: {  	v17 =	vmov s31;
	v20 =	vld [tilespmem:s22+$0x60];
	v21 =	vadd.s32 v15, v18  }
0x4c: {  	v19 =	vshrl.u32 v17, $0x3  }
0x4d: {  	v17 =	vld [tilespmem:s22+$0x70];
	v22 =	vshll.u32 v19, v1;
	v19 =	vadd.s32 v16, v18;
	_ =	sdelay $0x2  }
0x4e: {  	s24 =	simm.s32 $0x17;
	s23 =	simm.s32 $0xF;
	v18 =	vbroadcast v22, $0x0;
	[tilespmem:v21+s14+$0x0] =	vst.idx.msk $0xffff, v20  }
.LBB2_3:
0x4f: {  	p0 =	sne.s32 s24, $0x1FF  }
0x50: {  	[tilespmem:v19+s14+$0x0] =	vst.idx.msk $0xffff, v17;
	s22 =	sadd.s32 $0x100, s22;
	s25 =	smov.u32 s24;
	s24 =	sadd.s32 $0x8, s24  }
0x51: {  	v17 =	vld [tilespmem:s22+$0xFFFFFF80];
	v19 =	vadd.s32 v0, v18  }
0x52: {  	s26 =	sadd.s32 $0xFFFFFFFA, s23;
	v18 =	vadd.s32 v2, v18;
	v20 =	vld [tilespmem:s22+$0xFFFFFF90]  }
0x53: {  	v21 =	vmov s26  }
0x54: {  	v21 =	vshrl.u32 v21, $0x3  }
0x55: {  	v21 =	vshll.u32 v21, v1  }
0x56: {  	[tilespmem:v19+s14+$0x0] =	vst.idx.msk $0xffff, v17;
	v17 =	vbroadcast v21, $0x0  }
0x57: {  	[tilespmem:v18+s14+$0x0] =	vst.idx.msk $0xffff, v20  }
0x58: {  	v18 =	vld [tilespmem:s22+$0xFFFFFFA0];
	v19 =	vadd.s32 v3, v17  }
0x59: {  	s26 =	sadd.s32 $0xFFFFFFFB, s23;
	v17 =	vadd.s32 v4, v17;
	v20 =	vld [tilespmem:s22+$0xFFFFFFB0]  }
0x5a: {  	v21 =	vmov s26  }
0x5b: {  	v21 =	vshrl.u32 v21, $0x3  }
0x5c: {  	v21 =	vshll.u32 v21, v1  }
0x5d: {  	[tilespmem:v19+s14+$0x0] =	vst.idx.msk $0xffff, v18;
	v18 =	vbroadcast v21, $0x0  }
0x5e: {  	[tilespmem:v17+s14+$0x0] =	vst.idx.msk $0xffff, v20  }
0x5f: {  	v17 =	vld [tilespmem:s22+$0xFFFFFFC0];
	v19 =	vadd.s32 v5, v18  }
0x60: {  	s26 =	sadd.s32 $0xFFFFFFFC, s23;
	v18 =	vadd.s32 v6, v18;
	v20 =	vld [tilespmem:s22+$0xFFFFFFD0]  }
0x61: {  	v21 =	vmov s26  }
0x62: {  	v21 =	vshrl.u32 v21, $0x3  }
0x63: {  	v21 =	vshll.u32 v21, v1  }
0x64: {  	[tilespmem:v19+s14+$0x0] =	vst.idx.msk $0xffff, v17;
	v17 =	vbroadcast v21, $0x0  }
0x65: {  	[tilespmem:v18+s14+$0x0] =	vst.idx.msk $0xffff, v20  }
0x66: {  	v18 =	vld [tilespmem:s22+$0xFFFFFFE0];
	v19 =	vadd.s32 v7, v17  }
0x67: {  	s26 =	sadd.s32 $0xFFFFFFFD, s23;
	v17 =	vadd.s32 v8, v17;
	v20 =	vld [tilespmem:s22+$0xFFFFFFF0]  }
0x68: {  	v21 =	vmov s26  }
0x69: {  	v21 =	vshrl.u32 v21, $0x3  }
0x6a: {  	v21 =	vshll.u32 v21, v1  }
0x6b: {  	[tilespmem:v19+s14+$0x0] =	vst.idx.msk $0xffff, v18;
	v18 =	vbroadcast v21, $0x0  }
0x6c: {  	[tilespmem:v17+s14+$0x0] =	vst.idx.msk $0xffff, v20  }
0x6d: {  	v17 =	vld [tilespmem:s22+$0x0];
	v19 =	vadd.s32 v9, v18  }
0x6e: {  	s26 =	sadd.s32 $0xFFFFFFFE, s23;
	v18 =	vadd.s32 v10, v18;
	v20 =	vld [tilespmem:s22+$0x10]  }
0x6f: {  	v21 =	vmov s26  }
0x70: {  	v21 =	vshrl.u32 v21, $0x3  }
0x71: {  	v21 =	vshll.u32 v21, v1  }
0x72: {  	[tilespmem:v19+s14+$0x0] =	vst.idx.msk $0xffff, v17;
	v17 =	vbroadcast v21, $0x0  }
0x73: {  	[tilespmem:v18+s14+$0x0] =	vst.idx.msk $0xffff, v20  }
0x74: {  	v18 =	vld [tilespmem:s22+$0x20];
	v19 =	vadd.s32 v11, v17  }
0x75: {  	s26 =	sadd.s32 $0xFFFFFFFF, s23;
	v17 =	vadd.s32 v12, v17;
	v20 =	vld [tilespmem:s22+$0x30]  }
0x76: {  	v21 =	vmov s26  }
0x77: {  	v21 =	vshrl.u32 v21, $0x3  }
0x78: {  	v21 =	vshll.u32 v21, v1  }
0x79: {  	[tilespmem:v19+s14+$0x0] =	vst.idx.msk $0xffff, v18;
	v18 =	vbroadcast v21, $0x0  }
0x7a: {  	[tilespmem:v17+s14+$0x0] =	vst.idx.msk $0xffff, v20  }
0x7b: {  	v17 =	vld [tilespmem:s22+$0x40];
	v19 =	vadd.s32 v13, v18  }
0x7c: {  	v18 =	vadd.s32 v14, v18;
	v20 =	vld [tilespmem:s22+$0x50]  }
0x7d: {  	v21 =	vmov s23;
	s23 =	smov.u32 s25  }
0x7e: {  	v21 =	vshrl.u32 v21, $0x3  }
0x7f: {  	v21 =	vshll.u32 v21, v1  }
0x80: {  	[tilespmem:v19+s14+$0x0] =	vst.idx.msk $0xffff, v17;
	v19 =	vbroadcast v21, $0x0  }
0x81: {  	[tilespmem:v18+s14+$0x0] =	vst.idx.msk $0xffff, v20  }
0x82: {  	v20 =	vld [tilespmem:s22+$0x60];
	v21 =	vadd.s32 v15, v19  }
.Ltmp0:
0x83: {  	s25 =	sadd.s32 $0xFFFFFFF9, s23;
	v19 =	vadd.s32 v16, v19;
	v17 =	vld [tilespmem:s22+$0x70];
	(pc) =	sbr.rel @p0 .LBB2_3-.Ltmp0, $4  }
0x84: {  	v18 =	vmov s25  }
0x85: {  	v18 =	vshrl.u32 v18, $0x3  }
0x86: {  	v18 =	vshll.u32 v18, v1  }
0x87: {  	v18 =	vbroadcast v18, $0x0;
	[tilespmem:v21+s14+$0x0] =	vst.idx.msk $0xffff, v20  }
0x88: {  	_ =	sdelay $0x3  }
0x89: {  	[tilespmem:v19+s14+$0x0] =	vst.idx.msk $0xffff, v17;
	s22 =	sadd.s32 $0x100, s22  }
0x8a: {  	v17 =	vld [tilespmem:s22+$0xFFFFFF80];
	v19 =	vadd.s32 v0, v18  }
0x8b: {  	s24 =	sadd.s32 $0xFFFFFFFA, s23;
	v20 =	vld [tilespmem:s22+$0xFFFFFF90];
	v18 =	vadd.s32 v2, v18  }
0x8c: {  	v21 =	vmov s24  }
0x8d: {  	v21 =	vshrl.u32 v21, $0x3  }
0x8e: {  	v21 =	vshll.u32 v21, v1  }
0x8f: {  	[tilespmem:v19+s14+$0x0] =	vst.idx.msk $0xffff, v17;
	v17 =	vbroadcast v21, $0x0  }
0x90: {  	[tilespmem:v18+s14+$0x0] =	vst.idx.msk $0xffff, v20  }
0x91: {  	v18 =	vld [tilespmem:s22+$0xFFFFFFA0];
	v19 =	vadd.s32 v3, v17  }
0x92: {  	s25 =	sadd.s32 $0xFFFFFFFB, s23;
	v20 =	vld [tilespmem:s22+$0xFFFFFFB0];
	v17 =	vadd.s32 v4, v17  }
0x93: {  	v58 =	vmov s25  }
0x94: {  	v21 =	vshrl.u32 v58, $0x3  }
0x95: {  	v21 =	vshll.u32 v21, v1  }
0x96: {  	[tilespmem:v19+s14+$0x0] =	vst.idx.msk $0xffff, v18;
	v18 =	vbroadcast v21, $0x0  }
0x97: {  	[tilespmem:v17+s14+$0x0] =	vst.idx.msk $0xffff, v20  }
0x98: {  	v17 =	vld [tilespmem:s22+$0xFFFFFFC0];
	v19 =	vadd.s32 v5, v18  }
0x99: {  	s26 =	sadd.s32 $0xFFFFFFFC, s23;
	v20 =	vld [tilespmem:s22+$0xFFFFFFD0];
	v18 =	vadd.s32 v6, v18  }
0x9a: {  	v59 =	vmov s26  }
0x9b: {  	v21 =	vshrl.u32 v59, $0x3  }
0x9c: {  	v21 =	vshll.u32 v21, v1  }
0x9d: {  	[tilespmem:v19+s14+$0x0] =	vst.idx.msk $0xffff, v17;
	v17 =	vbroadcast v21, $0x0  }
0x9e: {  	[tilespmem:v18+s14+$0x0] =	vst.idx.msk $0xffff, v20  }
0x9f: {  	v18 =	vld [tilespmem:s22+$0xFFFFFFE0];
	v19 =	vadd.s32 v7, v17  }
0xa0: {  	s28 =	sadd.s32 $0xFFFFFFFD, s23;
	v20 =	vld [tilespmem:s22+$0xFFFFFFF0];
	v17 =	vadd.s32 v8, v17  }
0xa1: {  	v60 =	vmov s28  }
0xa2: {  	v21 =	vshrl.u32 v60, $0x3  }
0xa3: {  	v21 =	vshll.u32 v21, v1  }
0xa4: {  	[tilespmem:v19+s14+$0x0] =	vst.idx.msk $0xffff, v18;
	v18 =	vbroadcast v21, $0x0  }
0xa5: {  	[tilespmem:v17+s14+$0x0] =	vst.idx.msk $0xffff, v20  }
0xa6: {  	v17 =	vld [tilespmem:s22+$0x0];
	v19 =	vadd.s32 v9, v18  }
0xa7: {  	s29 =	sadd.s32 $0xFFFFFFFE, s23;
	v20 =	vld [tilespmem:s22+$0x10];
	v18 =	vadd.s32 v10, v18  }
0xa8: {  	v61 =	vmov s29  }
0xa9: {  	v21 =	vshrl.u32 v61, $0x3  }
0xaa: {  	v21 =	vshll.u32 v21, v1  }
0xab: {  	[tilespmem:v19+s14+$0x0] =	vst.idx.msk $0xffff, v17;
	v17 =	vbroadcast v21, $0x0  }
0xac: {  	[tilespmem:v18+s14+$0x0] =	vst.idx.msk $0xffff, v20  }
0xad: {  	v18 =	vld [tilespmem:s22+$0x20];
	v19 =	vadd.s32 v11, v17  }
0xae: {  	s30 =	sadd.s32 $0xFFFFFFFF, s23;
	v20 =	vld [tilespmem:s22+$0x30];
	v17 =	vadd.s32 v12, v17  }
0xaf: {  	v62 =	vmov s30  }
0xb0: {  	v21 =	vshrl.u32 v62, $0x3  }
0xb1: {  	v21 =	vshll.u32 v21, v1  }
0xb2: {  	[tilespmem:v19+s14+$0x0] =	vst.idx.msk $0xffff, v18;
	v18 =	vbroadcast v21, $0x0  }
0xb3: {  	[tilespmem:v17+s14+$0x0] =	vst.idx.msk $0xffff, v20  }
0xb4: {  	v17 =	vld [tilespmem:s22+$0x40];
	v19 =	vadd.s32 v13, v18  }
0xb5: {  	v20 =	vld [tilespmem:s22+$0x50];
	v18 =	vadd.s32 v14, v18  }
0xb6: {  	v63 =	vmov s23  }
0xb7: {  	v21 =	vshrl.u32 v63, $0x3  }
0xb8: {  	v21 =	vshll.u32 v21, v1  }
0xb9: {  	[tilespmem:v19+s14+$0x0] =	vst.idx.msk $0xffff, v17;
	v17 =	vbroadcast v21, $0x0  }
0xba: {  	[tilespmem:v18+s14+$0x0] =	vst.idx.msk $0xffff, v20  }
0xbb: {  	v18 =	vld [tilespmem:s22+$0x60];
	v19 =	vadd.s32 v15, v17  }
0xbc: {  	v20 =	vld [tilespmem:s22+$0x70];
	v17 =	vadd.s32 v16, v17  }
0xbd: {  	s31 =	sshll.u32 s20, $0x14  }
0xbe: {  	s22 =	sor.u32 s3, s31  }
0xbf: {  	s22 =	sshrl.u32 s22, $0x3  }
0xc0: {  	s23 =	simm.s32 $0xE400;
	s22 =	sadd.s32 s5, s22;
	[tilespmem:v19+s14+$0x0] =	vst.idx.msk $0xffff, v18  }
0xc1: {  	s24 =	simm.s32 $0x800;
	s25 =	simm.s32 $0xE608;
	s26 =	sadd.s32 $0x0, s22;
	[tilespmem:v17+s14+$0x0] =	vst.idx.msk $0xffff, v20  }
.LBB2_5:
0xc2: {  	[hbm4b:s26+s2] =	stream.linear.scatter [tilespmem:s23], [sflag:$0x3], $0x200, $0x38;
	[tilespmem:$0x16600] =	vst v63  }
0xc3: {  	s26 =	smov.u32 s24;
	s23 =	smov.u32 s25;
	p0 =	sne.s32 s24, $0xF800  }
.Ltmp1:
0xc4: {  	s24 =	sadd.s32 $0x800, s24;
	(pc) =	sbr.rel @p0 .LBB2_5-.Ltmp1, $2  }
0xc5: {  	_ =	sdelay $0x2  }
0xc6: {  	s25 =	sadd.s32 $0x208, s25;
	s26 =	sadd.s32 s26, s22  }
0xc7: {  	[hbm4b:s26+s2] =	stream.linear.scatter [tilespmem:s23], [sflag:$0x3], $0x200, $0x38;
	[tilespmem:$0x16600] =	vst v63  }
0xc8: {  	p0 =	seq.s32 s20, $0x18;
	s30 =	simm.s32 $0x0  }
0xc9: {  	_ =	swait.ge [sflag:s15], $0x4000;
	s22 =	sshll.u32 @!p0 s20, $0xA;
	p1 =	seq.s32 @!p0 s20, $0x0  }
0xca: {  	s23 =	simm.s32 @!p0 $0x200;
	[sflag:s15] =	ssyncset.done $0x0;
	s22 =	sand.u32 @!p0 $0x3FFFFC00, s22  }
0xcb: {  	s24 =	simm.s32 @!p0 $0x6400;
	[sflag:s15] =	ssyncadd.s32 $0xFFFFC000;
	s22 =	sadd.s32 @!p0 $0x400, s22  }
0xcc: {  	v17 =	vmov s30;
	[tilespmem:s24], [sflag:$0x1] =	stream.indirect.gather @!p0 [hbm4b:s4+s23], $0x20, s22, s23, $0xb8;
	[tilespmem:$0x16600] =	vst v63  }
0xcd: {  	v17 =	vshrl.u32 v17, $0x3;
	p0 =	por p0, !p1  }
0xce: {  	v17 =	vshll.u32 v17, v1;
	_ =	swait.ge @p0 [sflag:s18], $0x4000  }
0xcf: {  	v17 =	vbroadcast v17, $0x0;
	[sflag:s18] =	ssyncset.done @p0 $0x0  }
0xd0: {  	s22 =	simm.s32 $0x0;
	[sflag:s18] =	ssyncadd.s32 @p0 $0xFFFFC000  }
0xd1: {  	v19 =	vadd.s32 v0, v17;
	v18 =	vld [tilespmem:s22+$0xA400]  }
0xd2: {  	s31 =	simm.s32 $0x1;
	v17 =	vadd.s32 v2, v17;
	v20 =	vld [tilespmem:s22+$0xA410]  }
0xd3: {  	v21 =	vmov s31  }
0xd4: {  	v21 =	vshrl.u32 v21, $0x3  }
0xd5: {  	v21 =	vshll.u32 v21, v1  }
0xd6: {  	[tilespmem:v19+s16+$0x0] =	vst.idx.msk $0xffff, v18;
	v18 =	vbroadcast v21, $0x0  }
0xd7: {  	[tilespmem:v17+s16+$0x0] =	vst.idx.msk $0xffff, v20  }
0xd8: {  	v17 =	vld [tilespmem:s22+$0xA420];
	v19 =	vadd.s32 v3, v18  }
0xd9: {  	s24 =	simm.s32 $0x2;
	v20 =	vld [tilespmem:s22+$0xA430];
	v18 =	vadd.s32 v4, v18  }
0xda: {  	v58 =	vmov s24  }
0xdb: {  	v21 =	vshrl.u32 v58, $0x3  }
0xdc: {  	v21 =	vshll.u32 v21, v1  }
0xdd: {  	[tilespmem:v19+s16+$0x0] =	vst.idx.msk $0xffff, v17;
	v17 =	vbroadcast v21, $0x0  }
0xde: {  	[tilespmem:v18+s16+$0x0] =	vst.idx.msk $0xffff, v20  }
0xdf: {  	v18 =	vld [tilespmem:s22+$0xA440];
	v19 =	vadd.s32 v5, v17  }
0xe0: {  	s25 =	simm.s32 $0x3;
	v20 =	vld [tilespmem:s22+$0xA450];
	v17 =	vadd.s32 v6, v17  }
0xe1: {  	v59 =	vmov s25  }
0xe2: {  	v21 =	vshrl.u32 v59, $0x3  }
0xe3: {  	v21 =	vshll.u32 v21, v1  }
0xe4: {  	[tilespmem:v19+s16+$0x0] =	vst.idx.msk $0xffff, v18;
	v18 =	vbroadcast v21, $0x0  }
0xe5: {  	[tilespmem:v17+s16+$0x0] =	vst.idx.msk $0xffff, v20  }
0xe6: {  	v17 =	vld [tilespmem:s22+$0xA460];
	v19 =	vadd.s32 v7, v18  }
0xe7: {  	s26 =	simm.s32 $0x4;
	v20 =	vld [tilespmem:s22+$0xA470];
	v18 =	vadd.s32 v8, v18  }
0xe8: {  	v60 =	vmov s26  }
0xe9: {  	v21 =	vshrl.u32 v60, $0x3  }
0xea: {  	v21 =	vshll.u32 v21, v1  }
0xeb: {  	[tilespmem:v19+s16+$0x0] =	vst.idx.msk $0xffff, v17;
	v17 =	vbroadcast v21, $0x0  }
0xec: {  	[tilespmem:v18+s16+$0x0] =	vst.idx.msk $0xffff, v20  }
0xed: {  	v18 =	vld [tilespmem:s22+$0xA480];
	v19 =	vadd.s32 v9, v17  }
0xee: {  	s28 =	simm.s32 $0x5;
	v20 =	vld [tilespmem:s22+$0xA490];
	v17 =	vadd.s32 v10, v17  }
0xef: {  	v61 =	vmov s28  }
0xf0: {  	v21 =	vshrl.u32 v61, $0x3  }
0xf1: {  	v21 =	vshll.u32 v21, v1  }
0xf2: {  	[tilespmem:v19+s16+$0x0] =	vst.idx.msk $0xffff, v18;
	v18 =	vbroadcast v21, $0x0  }
0xf3: {  	[tilespmem:v17+s16+$0x0] =	vst.idx.msk $0xffff, v20  }
0xf4: {  	v17 =	vld [tilespmem:s22+$0xA4A0];
	v19 =	vadd.s32 v11, v18  }
0xf5: {  	s29 =	simm.s32 $0x6;
	v20 =	vld [tilespmem:s22+$0xA4B0];
	v18 =	vadd.s32 v12, v18  }
0xf6: {  	v62 =	vmov s29  }
0xf7: {  	v21 =	vshrl.u32 v62, $0x3  }
0xf8: {  	v21 =	vshll.u32 v21, v1  }
0xf9: {  	[tilespmem:v19+s16+$0x0] =	vst.idx.msk $0xffff, v17;
	v17 =	vbroadcast v21, $0x0  }
0xfa: {  	[tilespmem:v18+s16+$0x0] =	vst.idx.msk $0xffff, v20  }
0xfb: {  	v18 =	vld [tilespmem:s22+$0xA4C0];
	v19 =	vadd.s32 v13, v17  }
0xfc: {  	s30 =	simm.s32 $0x7;
	v20 =	vld [tilespmem:s22+$0xA4D0];
	v17 =	vadd.s32 v14, v17  }
0xfd: {  	v63 =	vmov s30  }
0xfe: {  	v21 =	vshrl.u32 v63, $0x3  }
0xff: {  	v21 =	vshll.u32 v21, v1  }
0x100: {  	[tilespmem:v19+s16+$0x0] =	vst.idx.msk $0xffff, v18;
	v18 =	vbroadcast v21, $0x0  }
0x101: {  	s31 =	simm.s32 $0x8;
	[tilespmem:v17+s16+$0x0] =	vst.idx.msk $0xffff, v20  }
0x102: {  	v17 =	vmov s31;
	v20 =	vld [tilespmem:s22+$0xA4E0];
	v21 =	vadd.s32 v15, v18  }
0x103: {  	v19 =	vshrl.u32 v17, $0x3;
	v17 =	vld [tilespmem:s22+$0xA4F0];
	v18 =	vadd.s32 v16, v18;
	_ =	sdelay $0x2  }
0x104: {  	v19 =	vshll.u32 v19, v1  }
0x105: {  	s23 =	simm.s32 $0xF;
	s24 =	simm.s32 $0x800;
	s22 =	simm.s32 $0x100;
	v19 =	vbroadcast v19, $0x0;
	[tilespmem:v21+s16+$0x0] =	vst.idx.msk $0xffff, v20  }
.LBB2_7:
0x106: {  	s25 =	sshra.s32 s24, $0x2;
	p0 =	sne.s32 s24, $0xFC00;
	s24 =	sadd.s32 $0x400, s24;
	[tilespmem:v18+s16+$0x0] =	vst.idx.msk $0xffff, v17  }
0x107: {  	v17 =	vld [tilespmem:s22+$0xA400];
	v18 =	vadd.s32 v0, v19  }
0x108: {  	s26 =	sadd.s32 $0xFFFFFFFA, s23;
	v19 =	vadd.s32 v2, v19;
	v20 =	vld [tilespmem:s22+$0xA410]  }
0x109: {  	v21 =	vmov s26  }
0x10a: {  	v21 =	vshrl.u32 v21, $0x3  }
0x10b: {  	v21 =	vshll.u32 v21, v1  }
0x10c: {  	[tilespmem:v18+s16+$0x0] =	vst.idx.msk $0xffff, v17;
	v17 =	vbroadcast v21, $0x0  }
0x10d: {  	[tilespmem:v19+s16+$0x0] =	vst.idx.msk $0xffff, v20  }
0x10e: {  	v18 =	vld [tilespmem:s22+$0xA420];
	v19 =	vadd.s32 v3, v17  }
0x10f: {  	s26 =	sadd.s32 $0xFFFFFFFB, s23;
	v17 =	vadd.s32 v4, v17;
	v20 =	vld [tilespmem:s22+$0xA430]  }
0x110: {  	v21 =	vmov s26  }
0x111: {  	v21 =	vshrl.u32 v21, $0x3  }
0x112: {  	v21 =	vshll.u32 v21, v1  }
0x113: {  	[tilespmem:v19+s16+$0x0] =	vst.idx.msk $0xffff, v18;
	v18 =	vbroadcast v21, $0x0  }
0x114: {  	[tilespmem:v17+s16+$0x0] =	vst.idx.msk $0xffff, v20  }
0x115: {  	v17 =	vld [tilespmem:s22+$0xA440];
	v19 =	vadd.s32 v5, v18  }
0x116: {  	s26 =	sadd.s32 $0xFFFFFFFC, s23;
	v18 =	vadd.s32 v6, v18;
	v20 =	vld [tilespmem:s22+$0xA450]  }
0x117: {  	v21 =	vmov s26  }
0x118: {  	v21 =	vshrl.u32 v21, $0x3  }
0x119: {  	v21 =	vshll.u32 v21, v1  }
0x11a: {  	[tilespmem:v19+s16+$0x0] =	vst.idx.msk $0xffff, v17;
	v17 =	vbroadcast v21, $0x0  }
0x11b: {  	[tilespmem:v18+s16+$0x0] =	vst.idx.msk $0xffff, v20  }
0x11c: {  	v18 =	vld [tilespmem:s22+$0xA460];
	v19 =	vadd.s32 v7, v17  }
0x11d: {  	s26 =	sadd.s32 $0xFFFFFFFD, s23;
	v17 =	vadd.s32 v8, v17;
	v20 =	vld [tilespmem:s22+$0xA470]  }
0x11e: {  	v21 =	vmov s26  }
0x11f: {  	v21 =	vshrl.u32 v21, $0x3  }
0x120: {  	v21 =	vshll.u32 v21, v1  }
0x121: {  	[tilespmem:v19+s16+$0x0] =	vst.idx.msk $0xffff, v18;
	v18 =	vbroadcast v21, $0x0  }
0x122: {  	[tilespmem:v17+s16+$0x0] =	vst.idx.msk $0xffff, v20  }
0x123: {  	v17 =	vld [tilespmem:s22+$0xA480];
	v19 =	vadd.s32 v9, v18  }
0x124: {  	s26 =	sadd.s32 $0xFFFFFFFE, s23;
	v18 =	vadd.s32 v10, v18;
	v20 =	vld [tilespmem:s22+$0xA490]  }
0x125: {  	v21 =	vmov s26  }
0x126: {  	v21 =	vshrl.u32 v21, $0x3  }
0x127: {  	v21 =	vshll.u32 v21, v1  }
0x128: {  	[tilespmem:v19+s16+$0x0] =	vst.idx.msk $0xffff, v17;
	v17 =	vbroadcast v21, $0x0  }
0x129: {  	[tilespmem:v18+s16+$0x0] =	vst.idx.msk $0xffff, v20  }
0x12a: {  	v18 =	vld [tilespmem:s22+$0xA4A0];
	v19 =	vadd.s32 v11, v17  }
0x12b: {  	s26 =	sadd.s32 $0xFFFFFFFF, s23;
	v17 =	vadd.s32 v12, v17;
	v20 =	vld [tilespmem:s22+$0xA4B0]  }
0x12c: {  	v21 =	vmov s26  }
0x12d: {  	v21 =	vshrl.u32 v21, $0x3  }
0x12e: {  	v21 =	vshll.u32 v21, v1  }
0x12f: {  	[tilespmem:v19+s16+$0x0] =	vst.idx.msk $0xffff, v18;
	v18 =	vbroadcast v21, $0x0  }
0x130: {  	[tilespmem:v17+s16+$0x0] =	vst.idx.msk $0xffff, v20  }
0x131: {  	v17 =	vld [tilespmem:s22+$0xA4C0];
	v19 =	vadd.s32 v13, v18  }
0x132: {  	v18 =	vadd.s32 v14, v18;
	v20 =	vld [tilespmem:s22+$0xA4D0]  }
0x133: {  	v21 =	vmov s23  }
0x134: {  	v21 =	vshrl.u32 v21, $0x3  }
0x135: {  	v21 =	vshll.u32 v21, v1  }
0x136: {  	[tilespmem:v19+s16+$0x0] =	vst.idx.msk $0xffff, v17;
	v19 =	vbroadcast v21, $0x0  }
0x137: {  	[tilespmem:v18+s16+$0x0] =	vst.idx.msk $0xffff, v20  }
0x138: {  	s23 =	sadd.s32 $0x8, s23;
	v20 =	vld [tilespmem:s22+$0xA4E0];
	v21 =	vadd.s32 v15, v19  }
.Ltmp2:
0x139: {  	s26 =	sadd.s32 $0xFFFFFFF9, s23;
	v18 =	vadd.s32 v16, v19;
	v17 =	vld [tilespmem:s22+$0xA4F0];
	s22 =	smov.u32 s25;
	(pc) =	sbr.rel @p0 .LBB2_7-.Ltmp2, $4  }
0x13a: {  	v19 =	vmov s26  }
0x13b: {  	v19 =	vshrl.u32 v19, $0x3  }
0x13c: {  	v19 =	vshll.u32 v19, v1  }
0x13d: {  	v19 =	vbroadcast v19, $0x0;
	[tilespmem:v21+s16+$0x0] =	vst.idx.msk $0xffff, v20  }
0x13e: {  	_ =	sdelay $0x3  }
0x13f: {  	[tilespmem:v18+s16+$0x0] =	vst.idx.msk $0xffff, v17  }
0x140: {  	v17 =	vld [tilespmem:s22+$0xA400];
	v18 =	vadd.s32 v0, v19  }
0x141: {  	s24 =	sadd.s32 $0xFFFFFFFA, s23;
	v20 =	vld [tilespmem:s22+$0xA410];
	v19 =	vadd.s32 v2, v19  }
0x142: {  	v21 =	vmov s24  }
0x143: {  	v21 =	vshrl.u32 v21, $0x3  }
0x144: {  	v21 =	vshll.u32 v21, v1  }
0x145: {  	[tilespmem:v18+s16+$0x0] =	vst.idx.msk $0xffff, v17;
	v17 =	vbroadcast v21, $0x0  }
0x146: {  	[tilespmem:v19+s16+$0x0] =	vst.idx.msk $0xffff, v20  }
0x147: {  	v18 =	vld [tilespmem:s22+$0xA420];
	v19 =	vadd.s32 v3, v17  }
0x148: {  	s26 =	sadd.s32 $0xFFFFFFFB, s23;
	v20 =	vld [tilespmem:s22+$0xA430];
	v17 =	vadd.s32 v4, v17  }
0x149: {  	v58 =	vmov s26  }
0x14a: {  	v21 =	vshrl.u32 v58, $0x3  }
0x14b: {  	v21 =	vshll.u32 v21, v1  }
0x14c: {  	[tilespmem:v19+s16+$0x0] =	vst.idx.msk $0xffff, v18;
	v18 =	vbroadcast v21, $0x0  }
0x14d: {  	[tilespmem:v17+s16+$0x0] =	vst.idx.msk $0xffff, v20  }
0x14e: {  	v17 =	vld [tilespmem:s22+$0xA440];
	v19 =	vadd.s32 v5, v18  }
0x14f: {  	s28 =	sadd.s32 $0xFFFFFFFC, s23;
	v20 =	vld [tilespmem:s22+$0xA450];
	v18 =	vadd.s32 v6, v18  }
0x150: {  	v59 =	vmov s28  }
0x151: {  	v21 =	vshrl.u32 v59, $0x3  }
0x152: {  	v21 =	vshll.u32 v21, v1  }
0x153: {  	[tilespmem:v19+s16+$0x0] =	vst.idx.msk $0xffff, v17;
	v17 =	vbroadcast v21, $0x0  }
0x154: {  	[tilespmem:v18+s16+$0x0] =	vst.idx.msk $0xffff, v20  }
0x155: {  	v18 =	vld [tilespmem:s22+$0xA460];
	v19 =	vadd.s32 v7, v17  }
0x156: {  	s29 =	sadd.s32 $0xFFFFFFFD, s23;
	v20 =	vld [tilespmem:s22+$0xA470];
	v17 =	vadd.s32 v8, v17  }
0x157: {  	v60 =	vmov s29  }
0x158: {  	v21 =	vshrl.u32 v60, $0x3  }
0x159: {  	v21 =	vshll.u32 v21, v1  }
0x15a: {  	[tilespmem:v19+s16+$0x0] =	vst.idx.msk $0xffff, v18;
	v18 =	vbroadcast v21, $0x0  }
0x15b: {  	[tilespmem:v17+s16+$0x0] =	vst.idx.msk $0xffff, v20  }
0x15c: {  	v17 =	vld [tilespmem:s22+$0xA480];
	v19 =	vadd.s32 v9, v18  }
0x15d: {  	s30 =	sadd.s32 $0xFFFFFFFE, s23;
	v20 =	vld [tilespmem:s22+$0xA490];
	v18 =	vadd.s32 v10, v18  }
0x15e: {  	v61 =	vmov s30  }
0x15f: {  	v21 =	vshrl.u32 v61, $0x3  }
0x160: {  	v21 =	vshll.u32 v21, v1  }
0x161: {  	[tilespmem:v19+s16+$0x0] =	vst.idx.msk $0xffff, v17;
	v17 =	vbroadcast v21, $0x0  }
0x162: {  	[tilespmem:v18+s16+$0x0] =	vst.idx.msk $0xffff, v20  }
0x163: {  	v18 =	vld [tilespmem:s22+$0xA4A0];
	v19 =	vadd.s32 v11, v17  }
0x164: {  	s31 =	sadd.s32 $0xFFFFFFFF, s23;
	v20 =	vld [tilespmem:s22+$0xA4B0];
	v17 =	vadd.s32 v12, v17  }
0x165: {  	v62 =	vmov s31  }
0x166: {  	v21 =	vshrl.u32 v62, $0x3  }
0x167: {  	v21 =	vshll.u32 v21, v1  }
0x168: {  	[tilespmem:v19+s16+$0x0] =	vst.idx.msk $0xffff, v18;
	v18 =	vbroadcast v21, $0x0  }
0x169: {  	[tilespmem:v17+s16+$0x0] =	vst.idx.msk $0xffff, v20  }
0x16a: {  	v17 =	vld [tilespmem:s22+$0xA4C0];
	v19 =	vadd.s32 v13, v18  }
0x16b: {  	v20 =	vld [tilespmem:s22+$0xA4D0];
	v18 =	vadd.s32 v14, v18  }
0x16c: {  	v63 =	vmov s23  }
0x16d: {  	v21 =	vshrl.u32 v63, $0x3  }
0x16e: {  	v21 =	vshll.u32 v21, v1  }
0x16f: {  	[tilespmem:v19+s16+$0x0] =	vst.idx.msk $0xffff, v17;
	v17 =	vbroadcast v21, $0x0  }
0x170: {  	[tilespmem:v18+s16+$0x0] =	vst.idx.msk $0xffff, v20  }
0x171: {  	v18 =	vld [tilespmem:s22+$0xA4E0];
	v19 =	vadd.s32 v15, v17  }
0x172: {  	v20 =	vld [tilespmem:s22+$0xA4F0];
	v17 =	vadd.s32 v16, v17  }
0x173: {  	s21 =	sshll.u32 s21, $0x13  }
0x174: {  	s21 =	sor.u32 s3, s21  }
0x175: {  	s21 =	sshrl.u32 s21, $0x3  }
0x176: {  	s23 =	simm.s32 $0x800;
	s21 =	sadd.s32 s5, s21;
	[tilespmem:v19+s16+$0x0] =	vst.idx.msk $0xffff, v18  }
0x177: {  	s24 =	simm.s32 $0x12708;
	s25 =	sadd.s32 $0x0, s21;
	s22 =	simm.s32 $0x12500;
	[tilespmem:v17+s16+$0x0] =	vst.idx.msk $0xffff, v20  }
.LBB2_9:
0x178: {  	[hbm4b:s25+s2] =	stream.linear.scatter [tilespmem:s22], [sflag:$0x4], $0x200, $0x38;
	[tilespmem:$0x16600] =	vst v63  }
0x179: {  	s25 =	smov.u32 s23;
	s22 =	smov.u32 s24;
	p0 =	sne.s32 s23, $0xF800  }
.Ltmp3:
0x17a: {  	s23 =	sadd.s32 $0x800, s23;
	(pc) =	sbr.rel @p0 .LBB2_9-.Ltmp3, $2  }
0x17b: {  	_ =	sdelay $0x2  }
0x17c: {  	s24 =	sadd.s32 $0x208, s24;
	s25 =	sadd.s32 s25, s21  }
0x17d: {  	s20 =	sadd.s32 $0x1, s20  }
0x17e: {  	p0 =	sne.s32 s20, $0x19  }
.Ltmp4:
0x17f: {  	_ = 	snop;
	(pc) =	sbr.rel @p0 .LBB2_2-.Ltmp4, $2  }
0x180: {  	_ =	sdelay $0x2  }
0x181: {  	[hbm4b:s25+s2] =	stream.linear.scatter [tilespmem:s22], [sflag:$0x4], $0x200, $0x38;
	[tilespmem:$0x16600] =	vst v63  }
0x182: {  	s19 =	sadd.s32 $0x1, s19  }
0x183: {  	_ =	swait.ge [sflag:s17], $0x4000;
	p0 =	sne.s32 s19, s7  }
.Ltmp5:
0x184: {  	[sflag:s17] =	ssyncset.done $0x0;
	(pc) =	sbr.rel @p0 .LBB2_1-.Ltmp5, $4  }
0x185: {  	[sflag:s17] =	ssyncadd.s32 $0xFFFFC000  }
0x186: {  	_ =	swait.ge [sflag:s18], $0x4000  }
0x187: {  	[sflag:s18] =	ssyncset.done $0x0  }
0x188: {  	[sflag:s18] =	ssyncadd.s32 $0xFFFFC000  }
0x189: {  	_ =	sfence.sel $0x180000  }
0x18a: {  	[bflag:$0x0] =	sbarrier.arrive $0xFFFF  }
0x18b: {  	p0 =	sne.s32 s1, $0x0;
	_ =	strace $0x90000047  }
0x18c: {  	s0 =	sadd.s32 @!p0 $0x100000, s0;
	[bflag:$0x2] =	sbarrier.arrive $0xFFFF  }
0x18d: {  	[sflag:s0] =	ssyncadd.tile.s32 @!p0 $0x1;
	_ =	shalt  }
.Lfunc_end2:
_tile_overlayer_lowered:
.L_overlay_start_2:
0x18e: {  	(tag) =	ssettag $0x2  }
0x18f: {  	s0 =	rddreg [dreg:$0x0];
	s2 =	stileid.u32  }
0x190: {  	s1 =	rddreg [dreg:$0x1];
	p0 =	sne.s32 s2, $0x0  }
0x191: {  	s3 =	rddreg [dreg:$0x2];
	[bflag:$0x3] =	sbarrier.arrive $0xFFFF;
	s2 =	simm.s32 @!p0 $0x1C05  }
0x192: {  	[timem:s3], [sflag:s2] =	dma.local @!p0 [hbm:s0], s1  }
0x193: {  	s0 =	simm.s32 @!p0 $0x5  }
0x194: {  	_ =	swait.ge @!p0 [sflag:s0], s1  }
0x195: {  	s1 =	ssub.s32 @!p0 $0x0, s1;
	[sflag:s0] =	ssyncset.done @!p0 $0x0  }
0x196: {  	[sflag:s0] =	ssyncadd.s32 @!p0 s1  }
0x197: {  	[bflag:$0x3] =	sbarrier.arrive $0xFFFF  }
0x198: {  	_ =	shalt  }

</sc_bundles>
